<compile_context>
chip_gen: v7x
topology: tpu7x:2x2x1
jax: 0.10.2.dev20260603
libtpu: 0.0.44.dev20260713+nightly
codegen_flags: <defaults>
</compile_context>

<pallas_src>
import functools

import jax
import jax.numpy as jnp
from jax import lax
from jax.experimental import pallas as pl
from jax.experimental.pallas import tpu as pltpu
from jax.experimental.pallas import tpu_sc as plsc

_NUM_GROUP = 512
_GROUP_SIZE = 32



def _fps_body(x_ref, y_ref, z_ref, idx_ref, cx_ref, cy_ref, cz_ref):
    B, N = x_ref.shape
    G = idx_ref.shape[1]
    x = x_ref[...]
    y = y_ref[...]
    z = z_ref[...]
    iota_n = lax.broadcasted_iota(jnp.int32, (B, N), 1)
    iota_g = lax.broadcasted_iota(jnp.int32, (B, G), 1)

    def body(i, c):
        dists, far, fx, fy, fz = c
        rec = iota_g == i
        idx_ref[...] = jnp.where(rec, far, idx_ref[...])
        cx_ref[...] = jnp.where(rec, fx, cx_ref[...])
        cy_ref[...] = jnp.where(rec, fy, cy_ref[...])
        cz_ref[...] = jnp.where(rec, fz, cz_ref[...])
        dx = x - fx
        dy = y - fy
        dz = z - fz
        d = dx * dx + dy * dy
        d = d + dz * dz
        dists = jnp.minimum(dists, d)
        m = jnp.max(dists, axis=1, keepdims=True)
        cand = jnp.where(dists == m, iota_n, N)
        ni = jnp.min(cand, axis=1, keepdims=True)
        sel = cand == ni
        nfx = jnp.sum(jnp.where(sel, x, 0.0), axis=1, keepdims=True)
        nfy = jnp.sum(jnp.where(sel, y, 0.0), axis=1, keepdims=True)
        nfz = jnp.sum(jnp.where(sel, z, 0.0), axis=1, keepdims=True)
        return (dists, ni, nfx, nfy, nfz)

    init = (
        jnp.full((B, N), 1e10, dtype=jnp.float32),
        jnp.zeros((B, 1), dtype=jnp.int32),
        x[:, :1],
        y[:, :1],
        z[:, :1],
    )
    lax.fori_loop(0, G, body, init)


def _run_fps(x, y, z):
    B, N = x.shape
    G = _NUM_GROUP
    return pl.pallas_call(
        _fps_body,
        out_shape=(
            jax.ShapeDtypeStruct((B, G), jnp.int32),
            jax.ShapeDtypeStruct((B, G), jnp.float32),
            jax.ShapeDtypeStruct((B, G), jnp.float32),
            jax.ShapeDtypeStruct((B, G), jnp.float32),
        ),
    )(x, y, z)



def _make_gather_sc(B, N, G, K):
    NC, NS = 2, 16
    NW = NC * NS
    chunks_per_batch = NW // B
    GC = G // chunks_per_batch
    mesh = plsc.VectorSubcoreMesh(core_axis_name="c", subcore_axis_name="s")
    f32 = jnp.float32

    @functools.partial(
        pl.kernel, mesh=mesh,
        compiler_params=pltpu.CompilerParams(needs_layout_passes=False),
        out_type=(
            jax.ShapeDtypeStruct((B, G * K), f32),
            jax.ShapeDtypeStruct((B, G * K), f32),
            jax.ShapeDtypeStruct((B, G * K), f32),
            jax.ShapeDtypeStruct((B, G * K), f32),
            jax.ShapeDtypeStruct((B, G * K), f32),
            jax.ShapeDtypeStruct((B, G * K), f32),
            jax.ShapeDtypeStruct((B, G), f32),
            jax.ShapeDtypeStruct((B, G), f32),
            jax.ShapeDtypeStruct((B, G), f32),
        ),
        scratch_types=[
            pltpu.VMEM((N,), f32),
            pltpu.VMEM((N,), f32),
            pltpu.VMEM((N,), f32),
            pltpu.VMEM((N,), f32),
            pltpu.VMEM((N,), f32),
            pltpu.VMEM((N,), f32),
            pltpu.VMEM((GC,), f32),
            pltpu.VMEM((GC,), f32),
            pltpu.VMEM((GC,), f32),
            pltpu.VMEM((GC,), jnp.int32),
            pltpu.VMEM((GC * K,), jnp.int32),
            pltpu.VMEM((GC * K,), f32),
            pltpu.VMEM((GC * K,), f32),
            pltpu.VMEM((GC * K,), f32),
            pltpu.VMEM((GC * K,), f32),
            pltpu.VMEM((GC * K,), f32),
            pltpu.VMEM((GC * K,), f32),
            pltpu.VMEM((GC,), f32),
            pltpu.VMEM((GC,), f32),
            pltpu.VMEM((GC,), f32),
        ],
    )
    def gather_kernel(x_hbm, y_hbm, z_hbm, a1_hbm, a2_hbm, a3_hbm,
                      cx_hbm, cy_hbm, cz_hbm, fps_hbm, knn_hbm,
                      nbx_hbm, nby_hbm, nbz_hbm, na1_hbm, na2_hbm, na3_hbm,
                      ca1_hbm, ca2_hbm, ca3_hbm,
                      xt, yt, zt, a1t, a2t, a3t, cxt, cyt, czt, fit, kit,
                      obx, oby, obz, oa1, oa2, oa3, oc1, oc2, oc3):
        wid = lax.axis_index("s") * NC + lax.axis_index("c")
        b = wid // chunks_per_batch
        g0 = (wid % chunks_per_batch) * GC

        pltpu.sync_copy(x_hbm.at[b], xt)
        pltpu.sync_copy(y_hbm.at[b], yt)
        pltpu.sync_copy(z_hbm.at[b], zt)
        pltpu.sync_copy(a1_hbm.at[b], a1t)
        pltpu.sync_copy(a2_hbm.at[b], a2t)
        pltpu.sync_copy(a3_hbm.at[b], a3t)
        pltpu.sync_copy(cx_hbm.at[b, pl.ds(g0, GC)], cxt)
        pltpu.sync_copy(cy_hbm.at[b, pl.ds(g0, GC)], cyt)
        pltpu.sync_copy(cz_hbm.at[b, pl.ds(g0, GC)], czt)
        pltpu.sync_copy(fps_hbm.at[b, pl.ds(g0, GC)], fit)
        pltpu.sync_copy(knn_hbm.at[b, pl.ds(g0 * K, GC * K)], kit)

        def group_body(g, _):
            g_splat = jnp.full((16,), 0, dtype=jnp.int32) + g
            cxs = plsc.load_gather(cxt, [g_splat])
            cys = plsc.load_gather(cyt, [g_splat])
            czs = plsc.load_gather(czt, [g_splat])
            base = g * K
            for kb in range(K // 16):
                off = base + kb * 16
                idx_v = kit[pl.ds(off, 16)]
                gx = plsc.load_gather(xt, [idx_v])
                gy = plsc.load_gather(yt, [idx_v])
                gz = plsc.load_gather(zt, [idx_v])
                obx[pl.ds(off, 16)] = gx - cxs
                oby[pl.ds(off, 16)] = gy - cys
                obz[pl.ds(off, 16)] = gz - czs
                oa1[pl.ds(off, 16)] = plsc.load_gather(a1t, [idx_v])
                oa2[pl.ds(off, 16)] = plsc.load_gather(a2t, [idx_v])
                oa3[pl.ds(off, 16)] = plsc.load_gather(a3t, [idx_v])
            return 0

        lax.fori_loop(0, GC, group_body, 0)

        def cent_body(j, _):
            idx_f = fit[pl.ds(j * 16, 16)]
            oc1[pl.ds(j * 16, 16)] = plsc.load_gather(a1t, [idx_f])
            oc2[pl.ds(j * 16, 16)] = plsc.load_gather(a2t, [idx_f])
            oc3[pl.ds(j * 16, 16)] = plsc.load_gather(a3t, [idx_f])
            return 0

        lax.fori_loop(0, GC // 16, cent_body, 0)

        pltpu.sync_copy(obx, nbx_hbm.at[b, pl.ds(g0 * K, GC * K)])
        pltpu.sync_copy(oby, nby_hbm.at[b, pl.ds(g0 * K, GC * K)])
        pltpu.sync_copy(obz, nbz_hbm.at[b, pl.ds(g0 * K, GC * K)])
        pltpu.sync_copy(oa1, na1_hbm.at[b, pl.ds(g0 * K, GC * K)])
        pltpu.sync_copy(oa2, na2_hbm.at[b, pl.ds(g0 * K, GC * K)])
        pltpu.sync_copy(oa3, na3_hbm.at[b, pl.ds(g0 * K, GC * K)])
        pltpu.sync_copy(oc1, ca1_hbm.at[b, pl.ds(g0, GC)])
        pltpu.sync_copy(oc2, ca2_hbm.at[b, pl.ds(g0, GC)])
        pltpu.sync_copy(oc3, ca3_hbm.at[b, pl.ds(g0, GC)])

    return gather_kernel



def _knn_body(tiles_per_b, R, x_ref, y_ref, z_ref, cx_ref, cy_ref, cz_ref, out_ref):
    N = x_ref.shape[1]
    K = _GROUP_SIZE
    b = pl.program_id(0) // tiles_per_b
    xb = jnp.broadcast_to(x_ref[pl.ds(b, 1), :], (R, N))
    yb = jnp.broadcast_to(y_ref[pl.ds(b, 1), :], (R, N))
    zb = jnp.broadcast_to(z_ref[pl.ds(b, 1), :], (R, N))
    cx = cx_ref[:, :1]
    cy = cy_ref[:, :1]
    cz = cz_ref[:, :1]
    dx = cx - xb
    dy = cy - yb
    dz = cz - zb
    d = dx * dx + dy * dy
    d = d + dz * dz
    iota_n = lax.broadcasted_iota(jnp.int32, (R, N), 1)
    iota_l = lax.broadcasted_iota(jnp.int32, (R, 128), 1)
    inf = jnp.float32(jnp.inf)

    def body(k, c):
        d, acc = c
        m = jnp.min(d, axis=1, keepdims=True)
        cand = jnp.where(d == m, iota_n, N)
        idx = jnp.min(cand, axis=1, keepdims=True)
        acc = jnp.where(iota_l == k, idx, acc)
        d = jnp.where(iota_n == idx, inf, d)
        return (d, acc)

    _, acc = lax.fori_loop(0, K, body, (d, jnp.zeros((R, 128), jnp.int32)))
    out_ref[...] = acc


def _run_knn(x, y, z, cx, cy, cz):
    B, N = x.shape
    G = _NUM_GROUP
    cxp = jnp.broadcast_to(cx.reshape(B * G, 1), (B * G, 128))
    cyp = jnp.broadcast_to(cy.reshape(B * G, 1), (B * G, 128))
    czp = jnp.broadcast_to(cz.reshape(B * G, 1), (B * G, 128))
    R = 256
    RT = B * G // R
    grid = (RT,)
    tiles_per_b = RT // B
    out = pl.pallas_call(
        functools.partial(_knn_body, tiles_per_b, R),
        grid=grid,
        in_specs=[
            pl.BlockSpec((B, N), lambda t: (0, 0)),
            pl.BlockSpec((B, N), lambda t: (0, 0)),
            pl.BlockSpec((B, N), lambda t: (0, 0)),
            pl.BlockSpec((R, 128), lambda t: (t, 0)),
            pl.BlockSpec((R, 128), lambda t: (t, 0)),
            pl.BlockSpec((R, 128), lambda t: (t, 0)),
        ],
        out_specs=pl.BlockSpec((R, 128), lambda t: (t, 0)),
        out_shape=jax.ShapeDtypeStruct((B * G, 128), jnp.int32),
    )(x, y, z, cxp, cyp, czp)
    return out[:, :_GROUP_SIZE].reshape(B, G, _GROUP_SIZE)



def kernel(xyz):
    B, N, _ = xyz.shape
    G, K = _NUM_GROUP, _GROUP_SIZE
    xyz_only = xyz[:, :, :3]

    x = xyz[:, :, 0]
    y = xyz[:, :, 1]
    z = xyz[:, :, 2]
    a1 = xyz[:, :, 3]
    a2 = xyz[:, :, 4]
    a3 = xyz[:, :, 5]
    fps_idx, cx, cy, cz = _run_fps(x, y, z)
    center = jnp.stack([cx, cy, cz], axis=-1)

    knn_idx = _run_knn(x, y, z, cx, cy, cz)

    gfn = _make_gather_sc(B, N, G, K)
    knn_flat = knn_idx.reshape(B, G * K)
    nbx, nby, nbz, na1, na2, na3, ca1, ca2, ca3 = gfn(
        x, y, z, a1, a2, a3, cx, cy, cz, fps_idx, knn_flat)

    nbx, nby, nbz = (v.reshape(B, G, K) for v in (nbx, nby, nbz))
    na1, na2, na3 = (v.reshape(B, G, K) for v in (na1, na2, na3))
    neighborhood_xyz = jnp.stack([nbx, nby, nbz], axis=-1)
    neighborhood_attr = jnp.stack([na1, na2, na3], axis=-1)
    center_attr = jnp.stack([ca1, ca2, ca3], axis=-1)

    return (neighborhood_xyz, neighborhood_attr, center, center_attr)

# --- scband reference (transcript-rebuilt; emitter-appended) ---
"""Pipeline reference for scband-group-36764920054510 (READ-ONLY COPY).

The authoritative reference and input builder live on the scoring server;
editing this copy changes nothing except your own understanding.
"""

import jax, jax.numpy as jnp
import numpy as np

NUM_GROUP = 512
GROUP_SIZE = 32


def fps(xyz, n_samples):
    # xyz: [B, N, 3] -> idx: [B, n_samples] (farthest point sampling, start at index 0)
    B, N, _ = xyz.shape

    def body(i, state):
        idx, dists, farthest = state
        idx = idx.at[:, i].set(farthest)
        centroid = jnp.take_along_axis(xyz, farthest[:, None, None], axis=1)  # B,1,3
        d = jnp.sum((xyz - centroid) ** 2, axis=-1)  # B,N
        dists = jnp.minimum(dists, d)
        farthest = jnp.argmax(dists, axis=-1).astype(jnp.int32)
        return idx, dists, farthest

    idx0 = jnp.zeros((B, n_samples), dtype=jnp.int32)
    d0 = jnp.full((B, N), 1e10, dtype=xyz.dtype)
    f0 = jnp.zeros((B,), dtype=jnp.int32)
    idx, _, _ = jax.lax.fori_loop(0, n_samples, body, (idx0, d0, f0))
    return idx


def setup_inputs(seed: int = 0) -> dict:
    key = jax.random.key(seed)
    xyz = jax.random.normal(key, (8, 8192, 6), dtype=jnp.float32)
    return {"xyz": xyz}


def reference(xyz):
    B, N, _ = xyz.shape
    xyz_only = xyz[:, :, :3]
    attr = xyz[:, :, 3:]

    # FPS centers
    fps_idx = fps(xyz_only, NUM_GROUP)  # B,G
    center = jnp.take_along_axis(xyz_only, fps_idx[:, :, None], axis=1)  # B,G,3
    center_attr = jnp.take_along_axis(attr, fps_idx[:, :, None], axis=1)  # B,G,C

    # KNN: for each center, k nearest points in xyz_only
    d = jnp.sum((center[:, :, None, :] - xyz_only[:, None, :, :]) ** 2, axis=-1)  # B,G,N
    _, knn_idx = jax.lax.top_k(-d, GROUP_SIZE)  # B,G,K

    neighborhood_xyz = jnp.take_along_axis(xyz_only[:, None, :, :], knn_idx[..., None], axis=2)  # B,G,K,3
    neighborhood_xyz = neighborhood_xyz - center[:, :, None, :]
    neighborhood_attr = jnp.take_along_axis(attr[:, None, :, :], knn_idx[..., None], axis=2)  # B,G,K,C

    return (neighborhood_xyz, neighborhood_attr, center, center_attr)

if __name__ == "__main__":
    import jax
    _d = setup_inputs()
    print(jax.jit(kernel)(*tuple(_d.values())))

</pallas_src>

<mosaic_0001>
#map = affine_map<(d0, d1) -> (0, 0)>
module attributes {stable_mosaic.version = 14 : i64} {
  func.func @gather_kernel(%arg0: i32, %arg1: i32, %arg2: memref<8x8192xf32, #tpu.memory_space<hbm>>, %arg3: memref<8x8192xf32, #tpu.memory_space<hbm>>, %arg4: memref<8x8192xf32, #tpu.memory_space<hbm>>, %arg5: memref<8x8192xf32, #tpu.memory_space<hbm>>, %arg6: memref<8x8192xf32, #tpu.memory_space<hbm>>, %arg7: memref<8x8192xf32, #tpu.memory_space<hbm>>, %arg8: memref<8x512xf32, #tpu.memory_space<hbm>>, %arg9: memref<8x512xf32, #tpu.memory_space<hbm>>, %arg10: memref<8x512xf32, #tpu.memory_space<hbm>>, %arg11: memref<8x512xi32, #tpu.memory_space<hbm>>, %arg12: memref<8x16384xi32, #tpu.memory_space<hbm>>, %arg13: memref<8x16384xf32, #tpu.memory_space<hbm>>, %arg14: memref<8x16384xf32, #tpu.memory_space<hbm>>, %arg15: memref<8x16384xf32, #tpu.memory_space<hbm>>, %arg16: memref<8x16384xf32, #tpu.memory_space<hbm>>, %arg17: memref<8x16384xf32, #tpu.memory_space<hbm>>, %arg18: memref<8x16384xf32, #tpu.memory_space<hbm>>, %arg19: memref<8x512xf32, #tpu.memory_space<hbm>>, %arg20: memref<8x512xf32, #tpu.memory_space<hbm>>, %arg21: memref<8x512xf32, #tpu.memory_space<hbm>>, %arg22: memref<8192xf32, #tpu.memory_space<vmem>>, %arg23: memref<8192xf32, #tpu.memory_space<vmem>>, %arg24: memref<8192xf32, #tpu.memory_space<vmem>>, %arg25: memref<8192xf32, #tpu.memory_space<vmem>>, %arg26: memref<8192xf32, #tpu.memory_space<vmem>>, %arg27: memref<8192xf32, #tpu.memory_space<vmem>>, %arg28: memref<128xf32, #tpu.memory_space<vmem>>, %arg29: memref<128xf32, #tpu.memory_space<vmem>>, %arg30: memref<128xf32, #tpu.memory_space<vmem>>, %arg31: memref<128xi32, #tpu.memory_space<vmem>>, %arg32: memref<4096xi32, #tpu.memory_space<vmem>>, %arg33: memref<4096xf32, #tpu.memory_space<vmem>>, %arg34: memref<4096xf32, #tpu.memory_space<vmem>>, %arg35: memref<4096xf32, #tpu.memory_space<vmem>>, %arg36: memref<4096xf32, #tpu.memory_space<vmem>>, %arg37: memref<4096xf32, #tpu.memory_space<vmem>>, %arg38: memref<4096xf32, #tpu.memory_space<vmem>>, %arg39: memref<128xf32, #tpu.memory_space<vmem>>, %arg40: memref<128xf32, #tpu.memory_space<vmem>>, %arg41: memref<128xf32, #tpu.memory_space<vmem>>) attributes {dimension_semantics = [#tpu.dimension_semantics<core_parallel>, #tpu.dimension_semantics<subcore_parallel>], iteration_bounds = array<i64: 2, 16>, scalar_prefetch = 0 : i64, scratch_operands = 20 : i64, tpu.core_type = #tpu.core_type<sc_vector_subcore>, window_params = [{transform_indices = #map}, {transform_indices = #map}, {transform_indices = #map}, {transform_indices = #map}, {transform_indices = #map}, {transform_indices = #map}, {transform_indices = #map}, {transform_indices = #map}, {transform_indices = #map}, {transform_indices = #map}, {transform_indices = #map}, {transform_indices = #map}, {transform_indices = #map}, {transform_indices = #map}, {transform_indices = #map}, {transform_indices = #map}, {transform_indices = #map}, {transform_indices = #map}, {transform_indices = #map}, {transform_indices = #map}]} {
    %mul3A = arith.constant 2 : i32
    %mul3A_0 = arith.muli %arg1, %mul3A : i32
    %add3A = arith.addi %mul3A_0, %arg0 : i32
    %jit3A = arith.constant 4 : i32
    %div3A = arith.divsi %add3A, %jit3A : i32
    %sign3A = arith.constant 0 : i32
    %sign3A_1 = arith.cmpi sgt, %add3A, %sign3A : i32
    %sign3A_2 = arith.extui %sign3A_1 : i1 to i32
    %sign3A_3 = arith.constant 0 : i32
    %sign3A_4 = arith.cmpi slt, %add3A, %sign3A_3 : i32
    %sign3A_5 = arith.extui %sign3A_4 : i1 to i32
    %sign3A_6 = arith.subi %sign3A_2, %sign3A_5 : i32
    %sign3A_7 = arith.constant 0 : i32
    %sign3A_8 = arith.cmpi sgt, %jit3A, %sign3A_7 : i32
    %sign3A_9 = arith.extui %sign3A_8 : i1 to i32
    %sign3A_10 = arith.constant 0 : i32
    %sign3A_11 = arith.cmpi slt, %jit3A, %sign3A_10 : i32
    %sign3A_12 = arith.extui %sign3A_11 : i1 to i32
    %sign3A_13 = arith.subi %sign3A_9, %sign3A_12 : i32
    %ne3A = arith.cmpi ne, %sign3A_6, %sign3A_13 : i32
    %rem3A = arith.remsi %add3A, %jit3A : i32
    %ne3A_14 = arith.constant 0 : i32
    %ne3A_15 = arith.cmpi ne, %rem3A, %ne3A_14 : i32
    %and3A = arith.andi %ne3A, %ne3A_15 : i1
    %sub3A = arith.constant 1 : i32
    %sub3A_16 = arith.subi %div3A, %sub3A : i32
    %select_n3A = arith.select %and3A, %sub3A_16, %div3A : i32
    %jit3A_17 = arith.constant 4 : i32
    %eq3A = arith.constant 0 : i32
    %eq3A_18 = arith.cmpi eq, %jit3A_17, %eq3A : i32
    %jit3A_19 = arith.constant 1 : i32
    %select_n3A_20 = arith.select %eq3A_18, %jit3A_19, %jit3A_17 : i32
    %rem3A_21 = arith.remsi %add3A, %select_n3A_20 : i32
    %ne3A_22 = arith.constant 0 : i32
    %ne3A_23 = arith.cmpi ne, %rem3A_21, %ne3A_22 : i32
    %lt3A = arith.constant 0 : i32
    %lt3A_24 = arith.cmpi slt, %rem3A_21, %lt3A : i32
    %lt3A_25 = arith.constant 0 : i32
    %lt3A_26 = arith.cmpi slt, %select_n3A_20, %lt3A_25 : i32
    %ne3A_27 = arith.xori %lt3A_24, %lt3A_26 : i1
    %and3A_28 = arith.andi %ne3A_27, %ne3A_23 : i1
    %add3A_29 = arith.addi %rem3A_21, %select_n3A_20 : i32
    %select_n3A_30 = arith.select %and3A_28, %add3A_29, %rem3A_21 : i32
    %mul3A_31 = arith.constant 128 : i32
    %mul3A_32 = arith.muli %select_n3A_30, %mul3A_31 : i32
    "tpu.region"() ({
      %run_scoped3A = tpu.sem_alloc : memref<!tpu.dma_semaphore, #tpu.memory_space<semaphore_mem>>
      %dma_start3A = arith.constant 0 : i32
      %dma_start3A_60 = tpu.memref_slice %arg2[%select_n3A, %dma_start3A] : memref<8x8192xf32, #tpu.memory_space<hbm>> -> memref<1x8192xf32, #tpu.memory_space<hbm>>
      %dma_start3A_61 = tpu.memref_squeeze %dma_start3A_60 : memref<1x8192xf32, #tpu.memory_space<hbm>> -> memref<8192xf32, #tpu.memory_space<hbm>>
      %dma_start3A_62 = arith.constant 0 : i32
      %dma_start3A_63 = tpu.memref_slice %arg2[%select_n3A, %dma_start3A_62] : memref<8x8192xf32, #tpu.memory_space<hbm>> -> memref<1x8192xf32, #tpu.memory_space<hbm>>
      %dma_start3A_64 = tpu.memref_squeeze %dma_start3A_63 : memref<1x8192xf32, #tpu.memory_space<hbm>> -> memref<8192xf32, #tpu.memory_space<hbm>>
      tpu.enqueue_dma source(%dma_start3A_64 : memref<8192xf32, #tpu.memory_space<hbm>>) target(%arg22 : memref<8192xf32, #tpu.memory_space<vmem>>) target_semaphore(%run_scoped3A : memref<!tpu.dma_semaphore, #tpu.memory_space<semaphore_mem>>)
      %dma_wait3A = arith.constant 0 : i32
      %dma_wait3A_65 = tpu.memref_slice %arg2[%select_n3A, %dma_wait3A] : memref<8x8192xf32, #tpu.memory_space<hbm>> -> memref<1x8192xf32, #tpu.memory_space<hbm>>
      %dma_wait3A_66 = tpu.memref_squeeze %dma_wait3A_65 : memref<1x8192xf32, #tpu.memory_space<hbm>> -> memref<8192xf32, #tpu.memory_space<hbm>>
      %dma_wait3A_67 = arith.constant 0 : i32
      %dma_wait3A_68 = tpu.memref_slice %arg2[%select_n3A, %dma_wait3A_67] : memref<8x8192xf32, #tpu.memory_space<hbm>> -> memref<1x8192xf32, #tpu.memory_space<hbm>>
      %dma_wait3A_69 = tpu.memref_squeeze %dma_wait3A_68 : memref<1x8192xf32, #tpu.memory_space<hbm>> -> memref<8192xf32, #tpu.memory_space<hbm>>
      tpu.wait_dma2 semaphore(%run_scoped3A : memref<!tpu.dma_semaphore, #tpu.memory_space<semaphore_mem>>) src(%dma_wait3A_69 : memref<8192xf32, #tpu.memory_space<hbm>>) dst(%arg22 : memref<8192xf32, #tpu.memory_space<vmem>>)
      tpu.yield
    }) : () -> ()
    "tpu.region"() ({
      %run_scoped3A = tpu.sem_alloc : memref<!tpu.dma_semaphore, #tpu.memory_space<semaphore_mem>>
      %dma_start3A = arith.constant 0 : i32
      %dma_start3A_60 = tpu.memref_slice %arg3[%select_n3A, %dma_start3A] : memref<8x8192xf32, #tpu.memory_space<hbm>> -> memref<1x8192xf32, #tpu.memory_space<hbm>>
      %dma_start3A_61 = tpu.memref_squeeze %dma_start3A_60 : memref<1x8192xf32, #tpu.memory_space<hbm>> -> memref<8192xf32, #tpu.memory_space<hbm>>
      %dma_start3A_62 = arith.constant 0 : i32
      %dma_start3A_63 = tpu.memref_slice %arg3[%select_n3A, %dma_start3A_62] : memref<8x8192xf32, #tpu.memory_space<hbm>> -> memref<1x8192xf32, #tpu.memory_space<hbm>>
      %dma_start3A_64 = tpu.memref_squeeze %dma_start3A_63 : memref<1x8192xf32, #tpu.memory_space<hbm>> -> memref<8192xf32, #tpu.memory_space<hbm>>
      tpu.enqueue_dma source(%dma_start3A_64 : memref<8192xf32, #tpu.memory_space<hbm>>) target(%arg23 : memref<8192xf32, #tpu.memory_space<vmem>>) target_semaphore(%run_scoped3A : memref<!tpu.dma_semaphore, #tpu.memory_space<semaphore_mem>>)
      %dma_wait3A = arith.constant 0 : i32
      %dma_wait3A_65 = tpu.memref_slice %arg3[%select_n3A, %dma_wait3A] : memref<8x8192xf32, #tpu.memory_space<hbm>> -> memref<1x8192xf32, #tpu.memory_space<hbm>>
      %dma_wait3A_66 = tpu.memref_squeeze %dma_wait3A_65 : memref<1x8192xf32, #tpu.memory_space<hbm>> -> memref<8192xf32, #tpu.memory_space<hbm>>
      %dma_wait3A_67 = arith.constant 0 : i32
      %dma_wait3A_68 = tpu.memref_slice %arg3[%select_n3A, %dma_wait3A_67] : memref<8x8192xf32, #tpu.memory_space<hbm>> -> memref<1x8192xf32, #tpu.memory_space<hbm>>
      %dma_wait3A_69 = tpu.memref_squeeze %dma_wait3A_68 : memref<1x8192xf32, #tpu.memory_space<hbm>> -> memref<8192xf32, #tpu.memory_space<hbm>>
      tpu.wait_dma2 semaphore(%run_scoped3A : memref<!tpu.dma_semaphore, #tpu.memory_space<semaphore_mem>>) src(%dma_wait3A_69 : memref<8192xf32, #tpu.memory_space<hbm>>) dst(%arg23 : memref<8192xf32, #tpu.memory_space<vmem>>)
      tpu.yield
    }) : () -> ()
    "tpu.region"() ({
      %run_scoped3A = tpu.sem_alloc : memref<!tpu.dma_semaphore, #tpu.memory_space<semaphore_mem>>
      %dma_start3A = arith.constant 0 : i32
      %dma_start3A_60 = tpu.memref_slice %arg4[%select_n3A, %dma_start3A] : memref<8x8192xf32, #tpu.memory_space<hbm>> -> memref<1x8192xf32, #tpu.memory_space<hbm>>
      %dma_start3A_61 = tpu.memref_squeeze %dma_start3A_60 : memref<1x8192xf32, #tpu.memory_space<hbm>> -> memref<8192xf32, #tpu.memory_space<hbm>>
      %dma_start3A_62 = arith.constant 0 : i32
      %dma_start3A_63 = tpu.memref_slice %arg4[%select_n3A, %dma_start3A_62] : memref<8x8192xf32, #tpu.memory_space<hbm>> -> memref<1x8192xf32, #tpu.memory_space<hbm>>
      %dma_start3A_64 = tpu.memref_squeeze %dma_start3A_63 : memref<1x8192xf32, #tpu.memory_space<hbm>> -> memref<8192xf32, #tpu.memory_space<hbm>>
      tpu.enqueue_dma source(%dma_start3A_64 : memref<8192xf32, #tpu.memory_space<hbm>>) target(%arg24 : memref<8192xf32, #tpu.memory_space<vmem>>) target_semaphore(%run_scoped3A : memref<!tpu.dma_semaphore, #tpu.memory_space<semaphore_mem>>)
      %dma_wait3A = arith.constant 0 : i32
      %dma_wait3A_65 = tpu.memref_slice %arg4[%select_n3A, %dma_wait3A] : memref<8x8192xf32, #tpu.memory_space<hbm>> -> memref<1x8192xf32, #tpu.memory_space<hbm>>
      %dma_wait3A_66 = tpu.memref_squeeze %dma_wait3A_65 : memref<1x8192xf32, #tpu.memory_space<hbm>> -> memref<8192xf32, #tpu.memory_space<hbm>>
      %dma_wait3A_67 = arith.constant 0 : i32
      %dma_wait3A_68 = tpu.memref_slice %arg4[%select_n3A, %dma_wait3A_67] : memref<8x8192xf32, #tpu.memory_space<hbm>> -> memref<1x8192xf32, #tpu.memory_space<hbm>>
      %dma_wait3A_69 = tpu.memref_squeeze %dma_wait3A_68 : memref<1x8192xf32, #tpu.memory_space<hbm>> -> memref<8192xf32, #tpu.memory_space<hbm>>
      tpu.wait_dma2 semaphore(%run_scoped3A : memref<!tpu.dma_semaphore, #tpu.memory_space<semaphore_mem>>) src(%dma_wait3A_69 : memref<8192xf32, #tpu.memory_space<hbm>>) dst(%arg24 : memref<8192xf32, #tpu.memory_space<vmem>>)
      tpu.yield
    }) : () -> ()
    "tpu.region"() ({
      %run_scoped3A = tpu.sem_alloc : memref<!tpu.dma_semaphore, #tpu.memory_space<semaphore_mem>>
      %dma_start3A = arith.constant 0 : i32
      %dma_start3A_60 = tpu.memref_slice %arg5[%select_n3A, %dma_start3A] : memref<8x8192xf32, #tpu.memory_space<hbm>> -> memref<1x8192xf32, #tpu.memory_space<hbm>>
      %dma_start3A_61 = tpu.memref_squeeze %dma_start3A_60 : memref<1x8192xf32, #tpu.memory_space<hbm>> -> memref<8192xf32, #tpu.memory_space<hbm>>
      %dma_start3A_62 = arith.constant 0 : i32
      %dma_start3A_63 = tpu.memref_slice %arg5[%select_n3A, %dma_start3A_62] : memref<8x8192xf32, #tpu.memory_space<hbm>> -> memref<1x8192xf32, #tpu.memory_space<hbm>>
      %dma_start3A_64 = tpu.memref_squeeze %dma_start3A_63 : memref<1x8192xf32, #tpu.memory_space<hbm>> -> memref<8192xf32, #tpu.memory_space<hbm>>
      tpu.enqueue_dma source(%dma_start3A_64 : memref<8192xf32, #tpu.memory_space<hbm>>) target(%arg25 : memref<8192xf32, #tpu.memory_space<vmem>>) target_semaphore(%run_scoped3A : memref<!tpu.dma_semaphore, #tpu.memory_space<semaphore_mem>>)
      %dma_wait3A = arith.constant 0 : i32
      %dma_wait3A_65 = tpu.memref_slice %arg5[%select_n3A, %dma_wait3A] : memref<8x8192xf32, #tpu.memory_space<hbm>> -> memref<1x8192xf32, #tpu.memory_space<hbm>>
      %dma_wait3A_66 = tpu.memref_squeeze %dma_wait3A_65 : memref<1x8192xf32, #tpu.memory_space<hbm>> -> memref<8192xf32, #tpu.memory_space<hbm>>
      %dma_wait3A_67 = arith.constant 0 : i32
      %dma_wait3A_68 = tpu.memref_slice %arg5[%select_n3A, %dma_wait3A_67] : memref<8x8192xf32, #tpu.memory_space<hbm>> -> memref<1x8192xf32, #tpu.memory_space<hbm>>
      %dma_wait3A_69 = tpu.memref_squeeze %dma_wait3A_68 : memref<1x8192xf32, #tpu.memory_space<hbm>> -> memref<8192xf32, #tpu.memory_space<hbm>>
      tpu.wait_dma2 semaphore(%run_scoped3A : memref<!tpu.dma_semaphore, #tpu.memory_space<semaphore_mem>>) src(%dma_wait3A_69 : memref<8192xf32, #tpu.memory_space<hbm>>) dst(%arg25 : memref<8192xf32, #tpu.memory_space<vmem>>)
      tpu.yield
    }) : () -> ()
    "tpu.region"() ({
      %run_scoped3A = tpu.sem_alloc : memref<!tpu.dma_semaphore, #tpu.memory_space<semaphore_mem>>
      %dma_start3A = arith.constant 0 : i32
      %dma_start3A_60 = tpu.memref_slice %arg6[%select_n3A, %dma_start3A] : memref<8x8192xf32, #tpu.memory_space<hbm>> -> memref<1x8192xf32, #tpu.memory_space<hbm>>
      %dma_start3A_61 = tpu.memref_squeeze %dma_start3A_60 : memref<1x8192xf32, #tpu.memory_space<hbm>> -> memref<8192xf32, #tpu.memory_space<hbm>>
      %dma_start3A_62 = arith.constant 0 : i32
      %dma_start3A_63 = tpu.memref_slice %arg6[%select_n3A, %dma_start3A_62] : memref<8x8192xf32, #tpu.memory_space<hbm>> -> memref<1x8192xf32, #tpu.memory_space<hbm>>
      %dma_start3A_64 = tpu.memref_squeeze %dma_start3A_63 : memref<1x8192xf32, #tpu.memory_space<hbm>> -> memref<8192xf32, #tpu.memory_space<hbm>>
      tpu.enqueue_dma source(%dma_start3A_64 : memref<8192xf32, #tpu.memory_space<hbm>>) target(%arg26 : memref<8192xf32, #tpu.memory_space<vmem>>) target_semaphore(%run_scoped3A : memref<!tpu.dma_semaphore, #tpu.memory_space<semaphore_mem>>)
      %dma_wait3A = arith.constant 0 : i32
      %dma_wait3A_65 = tpu.memref_slice %arg6[%select_n3A, %dma_wait3A] : memref<8x8192xf32, #tpu.memory_space<hbm>> -> memref<1x8192xf32, #tpu.memory_space<hbm>>
      %dma_wait3A_66 = tpu.memref_squeeze %dma_wait3A_65 : memref<1x8192xf32, #tpu.memory_space<hbm>> -> memref<8192xf32, #tpu.memory_space<hbm>>
      %dma_wait3A_67 = arith.constant 0 : i32
      %dma_wait3A_68 = tpu.memref_slice %arg6[%select_n3A, %dma_wait3A_67] : memref<8x8192xf32, #tpu.memory_space<hbm>> -> memref<1x8192xf32, #tpu.memory_space<hbm>>
      %dma_wait3A_69 = tpu.memref_squeeze %dma_wait3A_68 : memref<1x8192xf32, #tpu.memory_space<hbm>> -> memref<8192xf32, #tpu.memory_space<hbm>>
      tpu.wait_dma2 semaphore(%run_scoped3A : memref<!tpu.dma_semaphore, #tpu.memory_space<semaphore_mem>>) src(%dma_wait3A_69 : memref<8192xf32, #tpu.memory_space<hbm>>) dst(%arg26 : memref<8192xf32, #tpu.memory_space<vmem>>)
      tpu.yield
    }) : () -> ()
    "tpu.region"() ({
      %run_scoped3A = tpu.sem_alloc : memref<!tpu.dma_semaphore, #tpu.memory_space<semaphore_mem>>
      %dma_start3A = arith.constant 0 : i32
      %dma_start3A_60 = tpu.memref_slice %arg7[%select_n3A, %dma_start3A] : memref<8x8192xf32, #tpu.memory_space<hbm>> -> memref<1x8192xf32, #tpu.memory_space<hbm>>
      %dma_start3A_61 = tpu.memref_squeeze %dma_start3A_60 : memref<1x8192xf32, #tpu.memory_space<hbm>> -> memref<8192xf32, #tpu.memory_space<hbm>>
      %dma_start3A_62 = arith.constant 0 : i32
      %dma_start3A_63 = tpu.memref_slice %arg7[%select_n3A, %dma_start3A_62] : memref<8x8192xf32, #tpu.memory_space<hbm>> -> memref<1x8192xf32, #tpu.memory_space<hbm>>
      %dma_start3A_64 = tpu.memref_squeeze %dma_start3A_63 : memref<1x8192xf32, #tpu.memory_space<hbm>> -> memref<8192xf32, #tpu.memory_space<hbm>>
      tpu.enqueue_dma source(%dma_start3A_64 : memref<8192xf32, #tpu.memory_space<hbm>>) target(%arg27 : memref<8192xf32, #tpu.memory_space<vmem>>) target_semaphore(%run_scoped3A : memref<!tpu.dma_semaphore, #tpu.memory_space<semaphore_mem>>)
      %dma_wait3A = arith.constant 0 : i32
      %dma_wait3A_65 = tpu.memref_slice %arg7[%select_n3A, %dma_wait3A] : memref<8x8192xf32, #tpu.memory_space<hbm>> -> memref<1x8192xf32, #tpu.memory_space<hbm>>
      %dma_wait3A_66 = tpu.memref_squeeze %dma_wait3A_65 : memref<1x8192xf32, #tpu.memory_space<hbm>> -> memref<8192xf32, #tpu.memory_space<hbm>>
      %dma_wait3A_67 = arith.constant 0 : i32
      %dma_wait3A_68 = tpu.memref_slice %arg7[%select_n3A, %dma_wait3A_67] : memref<8x8192xf32, #tpu.memory_space<hbm>> -> memref<1x8192xf32, #tpu.memory_space<hbm>>
      %dma_wait3A_69 = tpu.memref_squeeze %dma_wait3A_68 : memref<1x8192xf32, #tpu.memory_space<hbm>> -> memref<8192xf32, #tpu.memory_space<hbm>>
      tpu.wait_dma2 semaphore(%run_scoped3A : memref<!tpu.dma_semaphore, #tpu.memory_space<semaphore_mem>>) src(%dma_wait3A_69 : memref<8192xf32, #tpu.memory_space<hbm>>) dst(%arg27 : memref<8192xf32, #tpu.memory_space<vmem>>)
      tpu.yield
    }) : () -> ()
    "tpu.region"() ({
      %run_scoped3A = tpu.sem_alloc : memref<!tpu.dma_semaphore, #tpu.memory_space<semaphore_mem>>
      %dma_start3A = tpu.memref_slice %arg8[%select_n3A, %mul3A_32] : memref<8x512xf32, #tpu.memory_space<hbm>> -> memref<1x128xf32, #tpu.memory_space<hbm>>
      %dma_start3A_60 = tpu.memref_squeeze %dma_start3A : memref<1x128xf32, #tpu.memory_space<hbm>> -> memref<128xf32, #tpu.memory_space<hbm>>
      %dma_start3A_61 = tpu.memref_slice %arg8[%select_n3A, %mul3A_32] : memref<8x512xf32, #tpu.memory_space<hbm>> -> memref<1x128xf32, #tpu.memory_space<hbm>>
      %dma_start3A_62 = tpu.memref_squeeze %dma_start3A_61 : memref<1x128xf32, #tpu.memory_space<hbm>> -> memref<128xf32, #tpu.memory_space<hbm>>
      tpu.enqueue_dma source(%dma_start3A_62 : memref<128xf32, #tpu.memory_space<hbm>>) target(%arg28 : memref<128xf32, #tpu.memory_space<vmem>>) target_semaphore(%run_scoped3A : memref<!tpu.dma_semaphore, #tpu.memory_space<semaphore_mem>>)
      %dma_wait3A = tpu.memref_slice %arg8[%select_n3A, %mul3A_32] : memref<8x512xf32, #tpu.memory_space<hbm>> -> memref<1x128xf32, #tpu.memory_space<hbm>>
      %dma_wait3A_63 = tpu.memref_squeeze %dma_wait3A : memref<1x128xf32, #tpu.memory_space<hbm>> -> memref<128xf32, #tpu.memory_space<hbm>>
      %dma_wait3A_64 = tpu.memref_slice %arg8[%select_n3A, %mul3A_32] : memref<8x512xf32, #tpu.memory_space<hbm>> -> memref<1x128xf32, #tpu.memory_space<hbm>>
      %dma_wait3A_65 = tpu.memref_squeeze %dma_wait3A_64 : memref<1x128xf32, #tpu.memory_space<hbm>> -> memref<128xf32, #tpu.memory_space<hbm>>
      tpu.wait_dma2 semaphore(%run_scoped3A : memref<!tpu.dma_semaphore, #tpu.memory_space<semaphore_mem>>) src(%dma_wait3A_65 : memref<128xf32, #tpu.memory_space<hbm>>) dst(%arg28 : memref<128xf32, #tpu.memory_space<vmem>>)
      tpu.yield
    }) : () -> ()
    "tpu.region"() ({
      %run_scoped3A = tpu.sem_alloc : memref<!tpu.dma_semaphore, #tpu.memory_space<semaphore_mem>>
      %dma_start3A = tpu.memref_slice %arg9[%select_n3A, %mul3A_32] : memref<8x512xf32, #tpu.memory_space<hbm>> -> memref<1x128xf32, #tpu.memory_space<hbm>>
      %dma_start3A_60 = tpu.memref_squeeze %dma_start3A : memref<1x128xf32, #tpu.memory_space<hbm>> -> memref<128xf32, #tpu.memory_space<hbm>>
      %dma_start3A_61 = tpu.memref_slice %arg9[%select_n3A, %mul3A_32] : memref<8x512xf32, #tpu.memory_space<hbm>> -> memref<1x128xf32, #tpu.memory_space<hbm>>
      %dma_start3A_62 = tpu.memref_squeeze %dma_start3A_61 : memref<1x128xf32, #tpu.memory_space<hbm>> -> memref<128xf32, #tpu.memory_space<hbm>>
      tpu.enqueue_dma source(%dma_start3A_62 : memref<128xf32, #tpu.memory_space<hbm>>) target(%arg29 : memref<128xf32, #tpu.memory_space<vmem>>) target_semaphore(%run_scoped3A : memref<!tpu.dma_semaphore, #tpu.memory_space<semaphore_mem>>)
      %dma_wait3A = tpu.memref_slice %arg9[%select_n3A, %mul3A_32] : memref<8x512xf32, #tpu.memory_space<hbm>> -> memref<1x128xf32, #tpu.memory_space<hbm>>
      %dma_wait3A_63 = tpu.memref_squeeze %dma_wait3A : memref<1x128xf32, #tpu.memory_space<hbm>> -> memref<128xf32, #tpu.memory_space<hbm>>
      %dma_wait3A_64 = tpu.memref_slice %arg9[%select_n3A, %mul3A_32] : memref<8x512xf32, #tpu.memory_space<hbm>> -> memref<1x128xf32, #tpu.memory_space<hbm>>
      %dma_wait3A_65 = tpu.memref_squeeze %dma_wait3A_64 : memref<1x128xf32, #tpu.memory_space<hbm>> -> memref<128xf32, #tpu.memory_space<hbm>>
      tpu.wait_dma2 semaphore(%run_scoped3A : memref<!tpu.dma_semaphore, #tpu.memory_space<semaphore_mem>>) src(%dma_wait3A_65 : memref<128xf32, #tpu.memory_space<hbm>>) dst(%arg29 : memref<128xf32, #tpu.memory_space<vmem>>)
      tpu.yield
    }) : () -> ()
    "tpu.region"() ({
      %run_scoped3A = tpu.sem_alloc : memref<!tpu.dma_semaphore, #tpu.memory_space<semaphore_mem>>
      %dma_start3A = tpu.memref_slice %arg10[%select_n3A, %mul3A_32] : memref<8x512xf32, #tpu.memory_space<hbm>> -> memref<1x128xf32, #tpu.memory_space<hbm>>
      %dma_start3A_60 = tpu.memref_squeeze %dma_start3A : memref<1x128xf32, #tpu.memory_space<hbm>> -> memref<128xf32, #tpu.memory_space<hbm>>
      %dma_start3A_61 = tpu.memref_slice %arg10[%select_n3A, %mul3A_32] : memref<8x512xf32, #tpu.memory_space<hbm>> -> memref<1x128xf32, #tpu.memory_space<hbm>>
      %dma_start3A_62 = tpu.memref_squeeze %dma_start3A_61 : memref<1x128xf32, #tpu.memory_space<hbm>> -> memref<128xf32, #tpu.memory_space<hbm>>
      tpu.enqueue_dma source(%dma_start3A_62 : memref<128xf32, #tpu.memory_space<hbm>>) target(%arg30 : memref<128xf32, #tpu.memory_space<vmem>>) target_semaphore(%run_scoped3A : memref<!tpu.dma_semaphore, #tpu.memory_space<semaphore_mem>>)
      %dma_wait3A = tpu.memref_slice %arg10[%select_n3A, %mul3A_32] : memref<8x512xf32, #tpu.memory_space<hbm>> -> memref<1x128xf32, #tpu.memory_space<hbm>>
      %dma_wait3A_63 = tpu.memref_squeeze %dma_wait3A : memref<1x128xf32, #tpu.memory_space<hbm>> -> memref<128xf32, #tpu.memory_space<hbm>>
      %dma_wait3A_64 = tpu.memref_slice %arg10[%select_n3A, %mul3A_32] : memref<8x512xf32, #tpu.memory_space<hbm>> -> memref<1x128xf32, #tpu.memory_space<hbm>>
      %dma_wait3A_65 = tpu.memref_squeeze %dma_wait3A_64 : memref<1x128xf32, #tpu.memory_space<hbm>> -> memref<128xf32, #tpu.memory_space<hbm>>
      tpu.wait_dma2 semaphore(%run_scoped3A : memref<!tpu.dma_semaphore, #tpu.memory_space<semaphore_mem>>) src(%dma_wait3A_65 : memref<128xf32, #tpu.memory_space<hbm>>) dst(%arg30 : memref<128xf32, #tpu.memory_space<vmem>>)
      tpu.yield
    }) : () -> ()
    "tpu.region"() ({
      %run_scoped3A = tpu.sem_alloc : memref<!tpu.dma_semaphore, #tpu.memory_space<semaphore_mem>>
      %dma_start3A = tpu.memref_slice %arg11[%select_n3A, %mul3A_32] : memref<8x512xi32, #tpu.memory_space<hbm>> -> memref<1x128xi32, #tpu.memory_space<hbm>>
      %dma_start3A_60 = tpu.memref_squeeze %dma_start3A : memref<1x128xi32, #tpu.memory_space<hbm>> -> memref<128xi32, #tpu.memory_space<hbm>>
      %dma_start3A_61 = tpu.memref_slice %arg11[%select_n3A, %mul3A_32] : memref<8x512xi32, #tpu.memory_space<hbm>> -> memref<1x128xi32, #tpu.memory_space<hbm>>
      %dma_start3A_62 = tpu.memref_squeeze %dma_start3A_61 : memref<1x128xi32, #tpu.memory_space<hbm>> -> memref<128xi32, #tpu.memory_space<hbm>>
      tpu.enqueue_dma source(%dma_start3A_62 : memref<128xi32, #tpu.memory_space<hbm>>) target(%arg31 : memref<128xi32, #tpu.memory_space<vmem>>) target_semaphore(%run_scoped3A : memref<!tpu.dma_semaphore, #tpu.memory_space<semaphore_mem>>)
      %dma_wait3A = tpu.memref_slice %arg11[%select_n3A, %mul3A_32] : memref<8x512xi32, #tpu.memory_space<hbm>> -> memref<1x128xi32, #tpu.memory_space<hbm>>
      %dma_wait3A_63 = tpu.memref_squeeze %dma_wait3A : memref<1x128xi32, #tpu.memory_space<hbm>> -> memref<128xi32, #tpu.memory_space<hbm>>
      %dma_wait3A_64 = tpu.memref_slice %arg11[%select_n3A, %mul3A_32] : memref<8x512xi32, #tpu.memory_space<hbm>> -> memref<1x128xi32, #tpu.memory_space<hbm>>
      %dma_wait3A_65 = tpu.memref_squeeze %dma_wait3A_64 : memref<1x128xi32, #tpu.memory_space<hbm>> -> memref<128xi32, #tpu.memory_space<hbm>>
      tpu.wait_dma2 semaphore(%run_scoped3A : memref<!tpu.dma_semaphore, #tpu.memory_space<semaphore_mem>>) src(%dma_wait3A_65 : memref<128xi32, #tpu.memory_space<hbm>>) dst(%arg31 : memref<128xi32, #tpu.memory_space<vmem>>)
      tpu.yield
    }) : () -> ()
    %mul3A_33 = arith.constant 32 : i32
    %mul3A_34 = arith.muli %mul3A_32, %mul3A_33 : i32
    "tpu.region"() ({
      %run_scoped3A = tpu.sem_alloc : memref<!tpu.dma_semaphore, #tpu.memory_space<semaphore_mem>>
      %dma_start3A = tpu.memref_slice %arg12[%select_n3A, %mul3A_34] : memref<8x16384xi32, #tpu.memory_space<hbm>> -> memref<1x4096xi32, #tpu.memory_space<hbm>>
      %dma_start3A_60 = tpu.memref_squeeze %dma_start3A : memref<1x4096xi32, #tpu.memory_space<hbm>> -> memref<4096xi32, #tpu.memory_space<hbm>>
      %dma_start3A_61 = tpu.memref_slice %arg12[%select_n3A, %mul3A_34] : memref<8x16384xi32, #tpu.memory_space<hbm>> -> memref<1x4096xi32, #tpu.memory_space<hbm>>
      %dma_start3A_62 = tpu.memref_squeeze %dma_start3A_61 : memref<1x4096xi32, #tpu.memory_space<hbm>> -> memref<4096xi32, #tpu.memory_space<hbm>>
      tpu.enqueue_dma source(%dma_start3A_62 : memref<4096xi32, #tpu.memory_space<hbm>>) target(%arg32 : memref<4096xi32, #tpu.memory_space<vmem>>) target_semaphore(%run_scoped3A : memref<!tpu.dma_semaphore, #tpu.memory_space<semaphore_mem>>)
      %dma_wait3A = tpu.memref_slice %arg12[%select_n3A, %mul3A_34] : memref<8x16384xi32, #tpu.memory_space<hbm>> -> memref<1x4096xi32, #tpu.memory_space<hbm>>
      %dma_wait3A_63 = tpu.memref_squeeze %dma_wait3A : memref<1x4096xi32, #tpu.memory_space<hbm>> -> memref<4096xi32, #tpu.memory_space<hbm>>
      %dma_wait3A_64 = tpu.memref_slice %arg12[%select_n3A, %mul3A_34] : memref<8x16384xi32, #tpu.memory_space<hbm>> -> memref<1x4096xi32, #tpu.memory_space<hbm>>
      %dma_wait3A_65 = tpu.memref_squeeze %dma_wait3A_64 : memref<1x4096xi32, #tpu.memory_space<hbm>> -> memref<4096xi32, #tpu.memory_space<hbm>>
      tpu.wait_dma2 semaphore(%run_scoped3A : memref<!tpu.dma_semaphore, #tpu.memory_space<semaphore_mem>>) src(%dma_wait3A_65 : memref<4096xi32, #tpu.memory_space<hbm>>) dst(%arg32 : memref<4096xi32, #tpu.memory_space<vmem>>)
      tpu.yield
    }) : () -> ()
    %scan3A = arith.constant 0 : i32
    %scan3A_35 = arith.constant 0 : i32
    %scan3A_36 = arith.constant 128 : i32
    %scan3A_37 = arith.addi %scan3A_35, %scan3A_36 : i32
    %scan3A_38 = arith.constant 1 : i32
    %scan3A_39 = scf.for %scan3A_60 = %scan3A_35 to %scan3A_37 step %scan3A_38 iter_args(%scan3A_61 = %scan3A) -> (i32)  : i32 {
      %broadcast_in_dim3A = arith.constant 0 : i32
      %broadcast_in_dim3A_62 = vector.broadcast %broadcast_in_dim3A : i32 to vector<16xi32>
      %add3A_63 = vector.broadcast %scan3A_60 : i32 to vector<16xi32>
      %add3A_64 = arith.addi %broadcast_in_dim3A_62, %add3A_63 : vector<16xi32>
      %gather3A = tpu.vector_load_idx %arg28[%add3A_64] : memref<128xf32, #tpu.memory_space<vmem>>[vector<16xi32>], vector<16xf32>,
      %gather3A_65 = tpu.vector_load_idx %arg29[%add3A_64] : memref<128xf32, #tpu.memory_space<vmem>>[vector<16xi32>], vector<16xf32>,
      %gather3A_66 = tpu.vector_load_idx %arg30[%add3A_64] : memref<128xf32, #tpu.memory_space<vmem>>[vector<16xi32>], vector<16xf32>,
      %mul3A_67 = arith.constant 32 : i32
      %mul3A_68 = arith.muli %scan3A_60, %mul3A_67 : i32
      %add3A_69 = arith.constant 0 : i32
      %add3A_70 = arith.addi %mul3A_68, %add3A_69 : i32
      %get3A = arith.index_cast %add3A_70 : i32 to index
      %get3A_71 = tpu.vector_load %arg32[%get3A] {strides = array<i32>} : memref<4096xi32, #tpu.memory_space<vmem>>, vector<16xi32>,
      %gather3A_72 = tpu.vector_load_idx %arg22[%get3A_71] : memref<8192xf32, #tpu.memory_space<vmem>>[vector<16xi32>], vector<16xf32>,
      %gather3A_73 = tpu.vector_load_idx %arg23[%get3A_71] : memref<8192xf32, #tpu.memory_space<vmem>>[vector<16xi32>], vector<16xf32>,
      %gather3A_74 = tpu.vector_load_idx %arg24[%get3A_71] : memref<8192xf32, #tpu.memory_space<vmem>>[vector<16xi32>], vector<16xf32>,
      %sub3A_75 = arith.subf %gather3A_72, %gather3A : vector<16xf32>
      %swap3A = arith.index_cast %add3A_70 : i32 to index
      %swap3A_76 = tpu.vector_load %arg33[%swap3A] {strides = array<i32>} : memref<4096xf32, #tpu.memory_space<vmem>>, vector<16xf32>,
      tpu.vector_store %arg33[%swap3A], %sub3A_75 {strides = array<i32>} : memref<4096xf32, #tpu.memory_space<vmem>>, vector<16xf32>,
      %sub3A_77 = arith.subf %gather3A_73, %gather3A_65 : vector<16xf32>
      %swap3A_78 = arith.index_cast %add3A_70 : i32 to index
      %swap3A_79 = tpu.vector_load %arg34[%swap3A_78] {strides = array<i32>} : memref<4096xf32, #tpu.memory_space<vmem>>, vector<16xf32>,
      tpu.vector_store %arg34[%swap3A_78], %sub3A_77 {strides = array<i32>} : memref<4096xf32, #tpu.memory_space<vmem>>, vector<16xf32>,
      %sub3A_80 = arith.subf %gather3A_74, %gather3A_66 : vector<16xf32>
      %swap3A_81 = arith.index_cast %add3A_70 : i32 to index
      %swap3A_82 = tpu.vector_load %arg35[%swap3A_81] {strides = array<i32>} : memref<4096xf32, #tpu.memory_space<vmem>>, vector<16xf32>,
      tpu.vector_store %arg35[%swap3A_81], %sub3A_80 {strides = array<i32>} : memref<4096xf32, #tpu.memory_space<vmem>>, vector<16xf32>,
      %gather3A_83 = tpu.vector_load_idx %arg25[%get3A_71] : memref<8192xf32, #tpu.memory_space<vmem>>[vector<16xi32>], vector<16xf32>,
      %swap3A_84 = arith.index_cast %add3A_70 : i32 to index
      %swap3A_85 = tpu.vector_load %arg36[%swap3A_84] {strides = array<i32>} : memref<4096xf32, #tpu.memory_space<vmem>>, vector<16xf32>,
      tpu.vector_store %arg36[%swap3A_84], %gather3A_83 {strides = array<i32>} : memref<4096xf32, #tpu.memory_space<vmem>>, vector<16xf32>,
      %gather3A_86 = tpu.vector_load_idx %arg26[%get3A_71] : memref<8192xf32, #tpu.memory_space<vmem>>[vector<16xi32>], vector<16xf32>,
      %swap3A_87 = arith.index_cast %add3A_70 : i32 to index
      %swap3A_88 = tpu.vector_load %arg37[%swap3A_87] {strides = array<i32>} : memref<4096xf32, #tpu.memory_space<vmem>>, vector<16xf32>,
      tpu.vector_store %arg37[%swap3A_87], %gather3A_86 {strides = array<i32>} : memref<4096xf32, #tpu.memory_space<vmem>>, vector<16xf32>,
      %gather3A_89 = tpu.vector_load_idx %arg27[%get3A_71] : memref<8192xf32, #tpu.memory_space<vmem>>[vector<16xi32>], vector<16xf32>,
      %swap3A_90 = arith.index_cast %add3A_70 : i32 to index
      %swap3A_91 = tpu.vector_load %arg38[%swap3A_90] {strides = array<i32>} : memref<4096xf32, #tpu.memory_space<vmem>>, vector<16xf32>,
      tpu.vector_store %arg38[%swap3A_90], %gather3A_89 {strides = array<i32>} : memref<4096xf32, #tpu.memory_space<vmem>>, vector<16xf32>,
      %add3A_92 = arith.constant 16 : i32
      %add3A_93 = arith.addi %mul3A_68, %add3A_92 : i32
      %get3A_94 = arith.index_cast %add3A_93 : i32 to index
      %get3A_95 = tpu.vector_load %arg32[%get3A_94] {strides = array<i32>} : memref<4096xi32, #tpu.memory_space<vmem>>, vector<16xi32>,
      %gather3A_96 = tpu.vector_load_idx %arg22[%get3A_95] : memref<8192xf32, #tpu.memory_space<vmem>>[vector<16xi32>], vector<16xf32>,
      %gather3A_97 = tpu.vector_load_idx %arg23[%get3A_95] : memref<8192xf32, #tpu.memory_space<vmem>>[vector<16xi32>], vector<16xf32>,
      %gather3A_98 = tpu.vector_load_idx %arg24[%get3A_95] : memref<8192xf32, #tpu.memory_space<vmem>>[vector<16xi32>], vector<16xf32>,
      %sub3A_99 = arith.subf %gather3A_96, %gather3A : vector<16xf32>
      %swap3A_100 = arith.index_cast %add3A_93 : i32 to index
      %swap3A_101 = tpu.vector_load %arg33[%swap3A_100] {strides = array<i32>} : memref<4096xf32, #tpu.memory_space<vmem>>, vector<16xf32>,
      tpu.vector_store %arg33[%swap3A_100], %sub3A_99 {strides = array<i32>} : memref<4096xf32, #tpu.memory_space<vmem>>, vector<16xf32>,
      %sub3A_102 = arith.subf %gather3A_97, %gather3A_65 : vector<16xf32>
      %swap3A_103 = arith.index_cast %add3A_93 : i32 to index
      %swap3A_104 = tpu.vector_load %arg34[%swap3A_103] {strides = array<i32>} : memref<4096xf32, #tpu.memory_space<vmem>>, vector<16xf32>,
      tpu.vector_store %arg34[%swap3A_103], %sub3A_102 {strides = array<i32>} : memref<4096xf32, #tpu.memory_space<vmem>>, vector<16xf32>,
      %sub3A_105 = arith.subf %gather3A_98, %gather3A_66 : vector<16xf32>
      %swap3A_106 = arith.index_cast %add3A_93 : i32 to index
      %swap3A_107 = tpu.vector_load %arg35[%swap3A_106] {strides = array<i32>} : memref<4096xf32, #tpu.memory_space<vmem>>, vector<16xf32>,
      tpu.vector_store %arg35[%swap3A_106], %sub3A_105 {strides = array<i32>} : memref<4096xf32, #tpu.memory_space<vmem>>, vector<16xf32>,
      %gather3A_108 = tpu.vector_load_idx %arg25[%get3A_95] : memref<8192xf32, #tpu.memory_space<vmem>>[vector<16xi32>], vector<16xf32>,
      %swap3A_109 = arith.index_cast %add3A_93 : i32 to index
      %swap3A_110 = tpu.vector_load %arg36[%swap3A_109] {strides = array<i32>} : memref<4096xf32, #tpu.memory_space<vmem>>, vector<16xf32>,
      tpu.vector_store %arg36[%swap3A_109], %gather3A_108 {strides = array<i32>} : memref<4096xf32, #tpu.memory_space<vmem>>, vector<16xf32>,
      %gather3A_111 = tpu.vector_load_idx %arg26[%get3A_95] : memref<8192xf32, #tpu.memory_space<vmem>>[vector<16xi32>], vector<16xf32>,
      %swap3A_112 = arith.index_cast %add3A_93 : i32 to index
      %swap3A_113 = tpu.vector_load %arg37[%swap3A_112] {strides = array<i32>} : memref<4096xf32, #tpu.memory_space<vmem>>, vector<16xf32>,
      tpu.vector_store %arg37[%swap3A_112], %gather3A_111 {strides = array<i32>} : memref<4096xf32, #tpu.memory_space<vmem>>, vector<16xf32>,
      %gather3A_114 = tpu.vector_load_idx %arg27[%get3A_95] : memref<8192xf32, #tpu.memory_space<vmem>>[vector<16xi32>], vector<16xf32>,
      %swap3A_115 = arith.index_cast %add3A_93 : i32 to index
      %swap3A_116 = tpu.vector_load %arg38[%swap3A_115] {strides = array<i32>} : memref<4096xf32, #tpu.memory_space<vmem>>, vector<16xf32>,
      tpu.vector_store %arg38[%swap3A_115], %gather3A_114 {strides = array<i32>} : memref<4096xf32, #tpu.memory_space<vmem>>, vector<16xf32>,
      %scan3A_117 = arith.constant 0 : i32
      scf.yield %scan3A_117 : i32
    }
    %scan3A_40 = arith.constant 128 : i32
    %scan3A_41 = arith.constant 0 : i32
    %scan3A_42 = arith.constant 0 : i32
    %scan3A_43 = arith.constant 8 : i32
    %scan3A_44 = arith.addi %scan3A_42, %scan3A_43 : i32
    %scan3A_45 = arith.constant 1 : i32
    %scan3A_46 = scf.for %scan3A_60 = %scan3A_42 to %scan3A_44 step %scan3A_45 iter_args(%scan3A_61 = %scan3A_41) -> (i32)  : i32 {
      %mul3A_62 = arith.constant 16 : i32
      %mul3A_63 = arith.muli %scan3A_60, %mul3A_62 : i32
      %get3A = arith.index_cast %mul3A_63 : i32 to index
      %get3A_64 = tpu.vector_load %arg31[%get3A] {strides = array<i32>} : memref<128xi32, #tpu.memory_space<vmem>>, vector<16xi32>,
      %gather3A = tpu.vector_load_idx %arg25[%get3A_64] : memref<8192xf32, #tpu.memory_space<vmem>>[vector<16xi32>], vector<16xf32>,
      %mul3A_65 = arith.constant 16 : i32
      %mul3A_66 = arith.muli %scan3A_60, %mul3A_65 : i32
      %swap3A = arith.index_cast %mul3A_66 : i32 to index
      %swap3A_67 = tpu.vector_load %arg39[%swap3A] {strides = array<i32>} : memref<128xf32, #tpu.memory_space<vmem>>, vector<16xf32>,
      tpu.vector_store %arg39[%swap3A], %gather3A {strides = array<i32>} : memref<128xf32, #tpu.memory_space<vmem>>, vector<16xf32>,
      %gather3A_68 = tpu.vector_load_idx %arg26[%get3A_64] : memref<8192xf32, #tpu.memory_space<vmem>>[vector<16xi32>], vector<16xf32>,
      %mul3A_69 = arith.constant 16 : i32
      %mul3A_70 = arith.muli %scan3A_60, %mul3A_69 : i32
      %swap3A_71 = arith.index_cast %mul3A_70 : i32 to index
      %swap3A_72 = tpu.vector_load %arg40[%swap3A_71] {strides = array<i32>} : memref<128xf32, #tpu.memory_space<vmem>>, vector<16xf32>,
      tpu.vector_store %arg40[%swap3A_71], %gather3A_68 {strides = array<i32>} : memref<128xf32, #tpu.memory_space<vmem>>, vector<16xf32>,
      %gather3A_73 = tpu.vector_load_idx %arg27[%get3A_64] : memref<8192xf32, #tpu.memory_space<vmem>>[vector<16xi32>], vector<16xf32>,
      %mul3A_74 = arith.constant 16 : i32
      %mul3A_75 = arith.muli %scan3A_60, %mul3A_74 : i32
      %swap3A_76 = arith.index_cast %mul3A_75 : i32 to index
      %swap3A_77 = tpu.vector_load %arg41[%swap3A_76] {strides = array<i32>} : memref<128xf32, #tpu.memory_space<vmem>>, vector<16xf32>,
      tpu.vector_store %arg41[%swap3A_76], %gather3A_73 {strides = array<i32>} : memref<128xf32, #tpu.memory_space<vmem>>, vector<16xf32>,
      %scan3A_78 = arith.constant 0 : i32
      scf.yield %scan3A_78 : i32
    }
    %scan3A_47 = arith.constant 8 : i32
    %mul3A_48 = arith.constant 32 : i32
    %mul3A_49 = arith.muli %mul3A_32, %mul3A_48 : i32
    "tpu.region"() ({
      %run_scoped3A = tpu.sem_alloc : memref<!tpu.dma_semaphore, #tpu.memory_space<semaphore_mem>>
      %dma_start3A = tpu.memref_slice %arg13[%select_n3A, %mul3A_49] : memref<8x16384xf32, #tpu.memory_space<hbm>> -> memref<1x4096xf32, #tpu.memory_space<hbm>>
      %dma_start3A_60 = tpu.memref_squeeze %dma_start3A : memref<1x4096xf32, #tpu.memory_space<hbm>> -> memref<4096xf32, #tpu.memory_space<hbm>>
      %dma_start3A_61 = tpu.memref_slice %arg13[%select_n3A, %mul3A_49] : memref<8x16384xf32, #tpu.memory_space<hbm>> -> memref<1x4096xf32, #tpu.memory_space<hbm>>
      %dma_start3A_62 = tpu.memref_squeeze %dma_start3A_61 : memref<1x4096xf32, #tpu.memory_space<hbm>> -> memref<4096xf32, #tpu.memory_space<hbm>>
      tpu.enqueue_dma source(%arg33 : memref<4096xf32, #tpu.memory_space<vmem>>) target(%dma_start3A_62 : memref<4096xf32, #tpu.memory_space<hbm>>) target_semaphore(%run_scoped3A : memref<!tpu.dma_semaphore, #tpu.memory_space<semaphore_mem>>)
      %dma_wait3A = tpu.memref_slice %arg13[%select_n3A, %mul3A_49] : memref<8x16384xf32, #tpu.memory_space<hbm>> -> memref<1x4096xf32, #tpu.memory_space<hbm>>
      %dma_wait3A_63 = tpu.memref_squeeze %dma_wait3A : memref<1x4096xf32, #tpu.memory_space<hbm>> -> memref<4096xf32, #tpu.memory_space<hbm>>
      %dma_wait3A_64 = tpu.memref_slice %arg13[%select_n3A, %mul3A_49] : memref<8x16384xf32, #tpu.memory_space<hbm>> -> memref<1x4096xf32, #tpu.memory_space<hbm>>
      %dma_wait3A_65 = tpu.memref_squeeze %dma_wait3A_64 : memref<1x4096xf32, #tpu.memory_space<hbm>> -> memref<4096xf32, #tpu.memory_space<hbm>>
      tpu.wait_dma2 semaphore(%run_scoped3A : memref<!tpu.dma_semaphore, #tpu.memory_space<semaphore_mem>>) src(%arg33 : memref<4096xf32, #tpu.memory_space<vmem>>) dst(%dma_wait3A_65 : memref<4096xf32, #tpu.memory_space<hbm>>)
      tpu.yield
    }) : () -> ()
    %mul3A_50 = arith.constant 32 : i32
    %mul3A_51 = arith.muli %mul3A_32, %mul3A_50 : i32
    "tpu.region"() ({
      %run_scoped3A = tpu.sem_alloc : memref<!tpu.dma_semaphore, #tpu.memory_space<semaphore_mem>>
      %dma_start3A = tpu.memref_slice %arg14[%select_n3A, %mul3A_51] : memref<8x16384xf32, #tpu.memory_space<hbm>> -> memref<1x4096xf32, #tpu.memory_space<hbm>>
      %dma_start3A_60 = tpu.memref_squeeze %dma_start3A : memref<1x4096xf32, #tpu.memory_space<hbm>> -> memref<4096xf32, #tpu.memory_space<hbm>>
      %dma_start3A_61 = tpu.memref_slice %arg14[%select_n3A, %mul3A_51] : memref<8x16384xf32, #tpu.memory_space<hbm>> -> memref<1x4096xf32, #tpu.memory_space<hbm>>
      %dma_start3A_62 = tpu.memref_squeeze %dma_start3A_61 : memref<1x4096xf32, #tpu.memory_space<hbm>> -> memref<4096xf32, #tpu.memory_space<hbm>>
      tpu.enqueue_dma source(%arg34 : memref<4096xf32, #tpu.memory_space<vmem>>) target(%dma_start3A_62 : memref<4096xf32, #tpu.memory_space<hbm>>) target_semaphore(%run_scoped3A : memref<!tpu.dma_semaphore, #tpu.memory_space<semaphore_mem>>)
      %dma_wait3A = tpu.memref_slice %arg14[%select_n3A, %mul3A_51] : memref<8x16384xf32, #tpu.memory_space<hbm>> -> memref<1x4096xf32, #tpu.memory_space<hbm>>
      %dma_wait3A_63 = tpu.memref_squeeze %dma_wait3A : memref<1x4096xf32, #tpu.memory_space<hbm>> -> memref<4096xf32, #tpu.memory_space<hbm>>
      %dma_wait3A_64 = tpu.memref_slice %arg14[%select_n3A, %mul3A_51] : memref<8x16384xf32, #tpu.memory_space<hbm>> -> memref<1x4096xf32, #tpu.memory_space<hbm>>
      %dma_wait3A_65 = tpu.memref_squeeze %dma_wait3A_64 : memref<1x4096xf32, #tpu.memory_space<hbm>> -> memref<4096xf32, #tpu.memory_space<hbm>>
      tpu.wait_dma2 semaphore(%run_scoped3A : memref<!tpu.dma_semaphore, #tpu.memory_space<semaphore_mem>>) src(%arg34 : memref<4096xf32, #tpu.memory_space<vmem>>) dst(%dma_wait3A_65 : memref<4096xf32, #tpu.memory_space<hbm>>)
      tpu.yield
    }) : () -> ()
    %mul3A_52 = arith.constant 32 : i32
    %mul3A_53 = arith.muli %mul3A_32, %mul3A_52 : i32
    "tpu.region"() ({
      %run_scoped3A = tpu.sem_alloc : memref<!tpu.dma_semaphore, #tpu.memory_space<semaphore_mem>>
      %dma_start3A = tpu.memref_slice %arg15[%select_n3A, %mul3A_53] : memref<8x16384xf32, #tpu.memory_space<hbm>> -> memref<1x4096xf32, #tpu.memory_space<hbm>>
      %dma_start3A_60 = tpu.memref_squeeze %dma_start3A : memref<1x4096xf32, #tpu.memory_space<hbm>> -> memref<4096xf32, #tpu.memory_space<hbm>>
      %dma_start3A_61 = tpu.memref_slice %arg15[%select_n3A, %mul3A_53] : memref<8x16384xf32, #tpu.memory_space<hbm>> -> memref<1x4096xf32, #tpu.memory_space<hbm>>
      %dma_start3A_62 = tpu.memref_squeeze %dma_start3A_61 : memref<1x4096xf32, #tpu.memory_space<hbm>> -> memref<4096xf32, #tpu.memory_space<hbm>>
      tpu.enqueue_dma source(%arg35 : memref<4096xf32, #tpu.memory_space<vmem>>) target(%dma_start3A_62 : memref<4096xf32, #tpu.memory_space<hbm>>) target_semaphore(%run_scoped3A : memref<!tpu.dma_semaphore, #tpu.memory_space<semaphore_mem>>)
      %dma_wait3A = tpu.memref_slice %arg15[%select_n3A, %mul3A_53] : memref<8x16384xf32, #tpu.memory_space<hbm>> -> memref<1x4096xf32, #tpu.memory_space<hbm>>
      %dma_wait3A_63 = tpu.memref_squeeze %dma_wait3A : memref<1x4096xf32, #tpu.memory_space<hbm>> -> memref<4096xf32, #tpu.memory_space<hbm>>
      %dma_wait3A_64 = tpu.memref_slice %arg15[%select_n3A, %mul3A_53] : memref<8x16384xf32, #tpu.memory_space<hbm>> -> memref<1x4096xf32, #tpu.memory_space<hbm>>
      %dma_wait3A_65 = tpu.memref_squeeze %dma_wait3A_64 : memref<1x4096xf32, #tpu.memory_space<hbm>> -> memref<4096xf32, #tpu.memory_space<hbm>>
      tpu.wait_dma2 semaphore(%run_scoped3A : memref<!tpu.dma_semaphore, #tpu.memory_space<semaphore_mem>>) src(%arg35 : memref<4096xf32, #tpu.memory_space<vmem>>) dst(%dma_wait3A_65 : memref<4096xf32, #tpu.memory_space<hbm>>)
      tpu.yield
    }) : () -> ()
    %mul3A_54 = arith.constant 32 : i32
    %mul3A_55 = arith.muli %mul3A_32, %mul3A_54 : i32
    "tpu.region"() ({
      %run_scoped3A = tpu.sem_alloc : memref<!tpu.dma_semaphore, #tpu.memory_space<semaphore_mem>>
      %dma_start3A = tpu.memref_slice %arg16[%select_n3A, %mul3A_55] : memref<8x16384xf32, #tpu.memory_space<hbm>> -> memref<1x4096xf32, #tpu.memory_space<hbm>>
      %dma_start3A_60 = tpu.memref_squeeze %dma_start3A : memref<1x4096xf32, #tpu.memory_space<hbm>> -> memref<4096xf32, #tpu.memory_space<hbm>>
      %dma_start3A_61 = tpu.memref_slice %arg16[%select_n3A, %mul3A_55] : memref<8x16384xf32, #tpu.memory_space<hbm>> -> memref<1x4096xf32, #tpu.memory_space<hbm>>
      %dma_start3A_62 = tpu.memref_squeeze %dma_start3A_61 : memref<1x4096xf32, #tpu.memory_space<hbm>> -> memref<4096xf32, #tpu.memory_space<hbm>>
      tpu.enqueue_dma source(%arg36 : memref<4096xf32, #tpu.memory_space<vmem>>) target(%dma_start3A_62 : memref<4096xf32, #tpu.memory_space<hbm>>) target_semaphore(%run_scoped3A : memref<!tpu.dma_semaphore, #tpu.memory_space<semaphore_mem>>)
      %dma_wait3A = tpu.memref_slice %arg16[%select_n3A, %mul3A_55] : memref<8x16384xf32, #tpu.memory_space<hbm>> -> memref<1x4096xf32, #tpu.memory_space<hbm>>
      %dma_wait3A_63 = tpu.memref_squeeze %dma_wait3A : memref<1x4096xf32, #tpu.memory_space<hbm>> -> memref<4096xf32, #tpu.memory_space<hbm>>
      %dma_wait3A_64 = tpu.memref_slice %arg16[%select_n3A, %mul3A_55] : memref<8x16384xf32, #tpu.memory_space<hbm>> -> memref<1x4096xf32, #tpu.memory_space<hbm>>
      %dma_wait3A_65 = tpu.memref_squeeze %dma_wait3A_64 : memref<1x4096xf32, #tpu.memory_space<hbm>> -> memref<4096xf32, #tpu.memory_space<hbm>>
      tpu.wait_dma2 semaphore(%run_scoped3A : memref<!tpu.dma_semaphore, #tpu.memory_space<semaphore_mem>>) src(%arg36 : memref<4096xf32, #tpu.memory_space<vmem>>) dst(%dma_wait3A_65 : memref<4096xf32, #tpu.memory_space<hbm>>)
      tpu.yield
    }) : () -> ()
    %mul3A_56 = arith.constant 32 : i32
    %mul3A_57 = arith.muli %mul3A_32, %mul3A_56 : i32
    "tpu.region"() ({
      %run_scoped3A = tpu.sem_alloc : memref<!tpu.dma_semaphore, #tpu.memory_space<semaphore_mem>>
      %dma_start3A = tpu.memref_slice %arg17[%select_n3A, %mul3A_57] : memref<8x16384xf32, #tpu.memory_space<hbm>> -> memref<1x4096xf32, #tpu.memory_space<hbm>>
      %dma_start3A_60 = tpu.memref_squeeze %dma_start3A : memref<1x4096xf32, #tpu.memory_space<hbm>> -> memref<4096xf32, #tpu.memory_space<hbm>>
      %dma_start3A_61 = tpu.memref_slice %arg17[%select_n3A, %mul3A_57] : memref<8x16384xf32, #tpu.memory_space<hbm>> -> memref<1x4096xf32, #tpu.memory_space<hbm>>
      %dma_start3A_62 = tpu.memref_squeeze %dma_start3A_61 : memref<1x4096xf32, #tpu.memory_space<hbm>> -> memref<4096xf32, #tpu.memory_space<hbm>>
      tpu.enqueue_dma source(%arg37 : memref<4096xf32, #tpu.memory_space<vmem>>) target(%dma_start3A_62 : memref<4096xf32, #tpu.memory_space<hbm>>) target_semaphore(%run_scoped3A : memref<!tpu.dma_semaphore, #tpu.memory_space<semaphore_mem>>)
      %dma_wait3A = tpu.memref_slice %arg17[%select_n3A, %mul3A_57] : memref<8x16384xf32, #tpu.memory_space<hbm>> -> memref<1x4096xf32, #tpu.memory_space<hbm>>
      %dma_wait3A_63 = tpu.memref_squeeze %dma_wait3A : memref<1x4096xf32, #tpu.memory_space<hbm>> -> memref<4096xf32, #tpu.memory_space<hbm>>
      %dma_wait3A_64 = tpu.memref_slice %arg17[%select_n3A, %mul3A_57] : memref<8x16384xf32, #tpu.memory_space<hbm>> -> memref<1x4096xf32, #tpu.memory_space<hbm>>
      %dma_wait3A_65 = tpu.memref_squeeze %dma_wait3A_64 : memref<1x4096xf32, #tpu.memory_space<hbm>> -> memref<4096xf32, #tpu.memory_space<hbm>>
      tpu.wait_dma2 semaphore(%run_scoped3A : memref<!tpu.dma_semaphore, #tpu.memory_space<semaphore_mem>>) src(%arg37 : memref<4096xf32, #tpu.memory_space<vmem>>) dst(%dma_wait3A_65 : memref<4096xf32, #tpu.memory_space<hbm>>)
      tpu.yield
    }) : () -> ()
    %mul3A_58 = arith.constant 32 : i32
    %mul3A_59 = arith.muli %mul3A_32, %mul3A_58 : i32
    "tpu.region"() ({
      %run_scoped3A = tpu.sem_alloc : memref<!tpu.dma_semaphore, #tpu.memory_space<semaphore_mem>>
      %dma_start3A = tpu.memref_slice %arg18[%select_n3A, %mul3A_59] : memref<8x16384xf32, #tpu.memory_space<hbm>> -> memref<1x4096xf32, #tpu.memory_space<hbm>>
      %dma_start3A_60 = tpu.memref_squeeze %dma_start3A : memref<1x4096xf32, #tpu.memory_space<hbm>> -> memref<4096xf32, #tpu.memory_space<hbm>>
      %dma_start3A_61 = tpu.memref_slice %arg18[%select_n3A, %mul3A_59] : memref<8x16384xf32, #tpu.memory_space<hbm>> -> memref<1x4096xf32, #tpu.memory_space<hbm>>
      %dma_start3A_62 = tpu.memref_squeeze %dma_start3A_61 : memref<1x4096xf32, #tpu.memory_space<hbm>> -> memref<4096xf32, #tpu.memory_space<hbm>>
      tpu.enqueue_dma source(%arg38 : memref<4096xf32, #tpu.memory_space<vmem>>) target(%dma_start3A_62 : memref<4096xf32, #tpu.memory_space<hbm>>) target_semaphore(%run_scoped3A : memref<!tpu.dma_semaphore, #tpu.memory_space<semaphore_mem>>)
      %dma_wait3A = tpu.memref_slice %arg18[%select_n3A, %mul3A_59] : memref<8x16384xf32, #tpu.memory_space<hbm>> -> memref<1x4096xf32, #tpu.memory_space<hbm>>
      %dma_wait3A_63 = tpu.memref_squeeze %dma_wait3A : memref<1x4096xf32, #tpu.memory_space<hbm>> -> memref<4096xf32, #tpu.memory_space<hbm>>
      %dma_wait3A_64 = tpu.memref_slice %arg18[%select_n3A, %mul3A_59] : memref<8x16384xf32, #tpu.memory_space<hbm>> -> memref<1x4096xf32, #tpu.memory_space<hbm>>
      %dma_wait3A_65 = tpu.memref_squeeze %dma_wait3A_64 : memref<1x4096xf32, #tpu.memory_space<hbm>> -> memref<4096xf32, #tpu.memory_space<hbm>>
      tpu.wait_dma2 semaphore(%run_scoped3A : memref<!tpu.dma_semaphore, #tpu.memory_space<semaphore_mem>>) src(%arg38 : memref<4096xf32, #tpu.memory_space<vmem>>) dst(%dma_wait3A_65 : memref<4096xf32, #tpu.memory_space<hbm>>)
      tpu.yield
    }) : () -> ()
    "tpu.region"() ({
      %run_scoped3A = tpu.sem_alloc : memref<!tpu.dma_semaphore, #tpu.memory_space<semaphore_mem>>
      %dma_start3A = tpu.memref_slice %arg19[%select_n3A, %mul3A_32] : memref<8x512xf32, #tpu.memory_space<hbm>> -> memref<1x128xf32, #tpu.memory_space<hbm>>
      %dma_start3A_60 = tpu.memref_squeeze %dma_start3A : memref<1x128xf32, #tpu.memory_space<hbm>> -> memref<128xf32, #tpu.memory_space<hbm>>
      %dma_start3A_61 = tpu.memref_slice %arg19[%select_n3A, %mul3A_32] : memref<8x512xf32, #tpu.memory_space<hbm>> -> memref<1x128xf32, #tpu.memory_space<hbm>>
      %dma_start3A_62 = tpu.memref_squeeze %dma_start3A_61 : memref<1x128xf32, #tpu.memory_space<hbm>> -> memref<128xf32, #tpu.memory_space<hbm>>
      tpu.enqueue_dma source(%arg39 : memref<128xf32, #tpu.memory_space<vmem>>) target(%dma_start3A_62 : memref<128xf32, #tpu.memory_space<hbm>>) target_semaphore(%run_scoped3A : memref<!tpu.dma_semaphore, #tpu.memory_space<semaphore_mem>>)
      %dma_wait3A = tpu.memref_slice %arg19[%select_n3A, %mul3A_32] : memref<8x512xf32, #tpu.memory_space<hbm>> -> memref<1x128xf32, #tpu.memory_space<hbm>>
      %dma_wait3A_63 = tpu.memref_squeeze %dma_wait3A : memref<1x128xf32, #tpu.memory_space<hbm>> -> memref<128xf32, #tpu.memory_space<hbm>>
      %dma_wait3A_64 = tpu.memref_slice %arg19[%select_n3A, %mul3A_32] : memref<8x512xf32, #tpu.memory_space<hbm>> -> memref<1x128xf32, #tpu.memory_space<hbm>>
      %dma_wait3A_65 = tpu.memref_squeeze %dma_wait3A_64 : memref<1x128xf32, #tpu.memory_space<hbm>> -> memref<128xf32, #tpu.memory_space<hbm>>
      tpu.wait_dma2 semaphore(%run_scoped3A : memref<!tpu.dma_semaphore, #tpu.memory_space<semaphore_mem>>) src(%arg39 : memref<128xf32, #tpu.memory_space<vmem>>) dst(%dma_wait3A_65 : memref<128xf32, #tpu.memory_space<hbm>>)
      tpu.yield
    }) : () -> ()
    "tpu.region"() ({
      %run_scoped3A = tpu.sem_alloc : memref<!tpu.dma_semaphore, #tpu.memory_space<semaphore_mem>>
      %dma_start3A = tpu.memref_slice %arg20[%select_n3A, %mul3A_32] : memref<8x512xf32, #tpu.memory_space<hbm>> -> memref<1x128xf32, #tpu.memory_space<hbm>>
      %dma_start3A_60 = tpu.memref_squeeze %dma_start3A : memref<1x128xf32, #tpu.memory_space<hbm>> -> memref<128xf32, #tpu.memory_space<hbm>>
      %dma_start3A_61 = tpu.memref_slice %arg20[%select_n3A, %mul3A_32] : memref<8x512xf32, #tpu.memory_space<hbm>> -> memref<1x128xf32, #tpu.memory_space<hbm>>
      %dma_start3A_62 = tpu.memref_squeeze %dma_start3A_61 : memref<1x128xf32, #tpu.memory_space<hbm>> -> memref<128xf32, #tpu.memory_space<hbm>>
      tpu.enqueue_dma source(%arg40 : memref<128xf32, #tpu.memory_space<vmem>>) target(%dma_start3A_62 : memref<128xf32, #tpu.memory_space<hbm>>) target_semaphore(%run_scoped3A : memref<!tpu.dma_semaphore, #tpu.memory_space<semaphore_mem>>)
      %dma_wait3A = tpu.memref_slice %arg20[%select_n3A, %mul3A_32] : memref<8x512xf32, #tpu.memory_space<hbm>> -> memref<1x128xf32, #tpu.memory_space<hbm>>
      %dma_wait3A_63 = tpu.memref_squeeze %dma_wait3A : memref<1x128xf32, #tpu.memory_space<hbm>> -> memref<128xf32, #tpu.memory_space<hbm>>
      %dma_wait3A_64 = tpu.memref_slice %arg20[%select_n3A, %mul3A_32] : memref<8x512xf32, #tpu.memory_space<hbm>> -> memref<1x128xf32, #tpu.memory_space<hbm>>
      %dma_wait3A_65 = tpu.memref_squeeze %dma_wait3A_64 : memref<1x128xf32, #tpu.memory_space<hbm>> -> memref<128xf32, #tpu.memory_space<hbm>>
      tpu.wait_dma2 semaphore(%run_scoped3A : memref<!tpu.dma_semaphore, #tpu.memory_space<semaphore_mem>>) src(%arg40 : memref<128xf32, #tpu.memory_space<vmem>>) dst(%dma_wait3A_65 : memref<128xf32, #tpu.memory_space<hbm>>)
      tpu.yield
    }) : () -> ()
    "tpu.region"() ({
      %run_scoped3A = tpu.sem_alloc : memref<!tpu.dma_semaphore, #tpu.memory_space<semaphore_mem>>
      %dma_start3A = tpu.memref_slice %arg21[%select_n3A, %mul3A_32] : memref<8x512xf32, #tpu.memory_space<hbm>> -> memref<1x128xf32, #tpu.memory_space<hbm>>
      %dma_start3A_60 = tpu.memref_squeeze %dma_start3A : memref<1x128xf32, #tpu.memory_space<hbm>> -> memref<128xf32, #tpu.memory_space<hbm>>
      %dma_start3A_61 = tpu.memref_slice %arg21[%select_n3A, %mul3A_32] : memref<8x512xf32, #tpu.memory_space<hbm>> -> memref<1x128xf32, #tpu.memory_space<hbm>>
      %dma_start3A_62 = tpu.memref_squeeze %dma_start3A_61 : memref<1x128xf32, #tpu.memory_space<hbm>> -> memref<128xf32, #tpu.memory_space<hbm>>
      tpu.enqueue_dma source(%arg41 : memref<128xf32, #tpu.memory_space<vmem>>) target(%dma_start3A_62 : memref<128xf32, #tpu.memory_space<hbm>>) target_semaphore(%run_scoped3A : memref<!tpu.dma_semaphore, #tpu.memory_space<semaphore_mem>>)
      %dma_wait3A = tpu.memref_slice %arg21[%select_n3A, %mul3A_32] : memref<8x512xf32, #tpu.memory_space<hbm>> -> memref<1x128xf32, #tpu.memory_space<hbm>>
      %dma_wait3A_63 = tpu.memref_squeeze %dma_wait3A : memref<1x128xf32, #tpu.memory_space<hbm>> -> memref<128xf32, #tpu.memory_space<hbm>>
      %dma_wait3A_64 = tpu.memref_slice %arg21[%select_n3A, %mul3A_32] : memref<8x512xf32, #tpu.memory_space<hbm>> -> memref<1x128xf32, #tpu.memory_space<hbm>>
      %dma_wait3A_65 = tpu.memref_squeeze %dma_wait3A_64 : memref<1x128xf32, #tpu.memory_space<hbm>> -> memref<128xf32, #tpu.memory_space<hbm>>
      tpu.wait_dma2 semaphore(%run_scoped3A : memref<!tpu.dma_semaphore, #tpu.memory_space<semaphore_mem>>) src(%arg41 : memref<128xf32, #tpu.memory_space<vmem>>) dst(%dma_wait3A_65 : memref<128xf32, #tpu.memory_space<hbm>>)
      tpu.yield
    }) : () -> ()
    return
  }
}

module attributes {stable_mosaic.version = 14 : i64} {
  func.func @_fps_body(%arg0: memref<8x8192xf32, #tpu.memory_space<vmem>>, %arg1: memref<8x8192xf32, #tpu.memory_space<vmem>>, %arg2: memref<8x8192xf32, #tpu.memory_space<vmem>>, %arg3: memref<8x512xi32, #tpu.memory_space<vmem>>, %arg4: memref<8x512xf32, #tpu.memory_space<vmem>>, %arg5: memref<8x512xf32, #tpu.memory_space<vmem>>, %arg6: memref<8x512xf32, #tpu.memory_space<vmem>>) attributes {dimension_semantics = [], scalar_prefetch = 0 : i64, scratch_operands = 0 : i64, tpu.core_type = #tpu.core_type<tc>} {
    %get3A = arith.constant 0 : index
    %get3A_0 = arith.constant 0 : index
    %get3A_1 = vector.load %arg0[%get3A, %get3A_0] : memref<8x8192xf32, #tpu.memory_space<vmem>>, vector<8x8192xf32>
    %get3A_2 = arith.constant 0 : index
    %get3A_3 = arith.constant 0 : index
    %get3A_4 = vector.load %arg1[%get3A_2, %get3A_3] : memref<8x8192xf32, #tpu.memory_space<vmem>>, vector<8x8192xf32>
    %get3A_5 = arith.constant 0 : index
    %get3A_6 = arith.constant 0 : index
    %get3A_7 = vector.load %arg2[%get3A_5, %get3A_6] : memref<8x8192xf32, #tpu.memory_space<vmem>>, vector<8x8192xf32>
    %iota3A = tpu.iota {dimensions = array<i32: 1>} : vector<8x8192xi32>
    %iota3A_8 = tpu.iota {dimensions = array<i32: 1>} : vector<8x512xi32>
    %broadcast_in_dim3A = arith.constant 1.000000e+10 : f32
    %broadcast_in_dim3A_9 = vector.broadcast %broadcast_in_dim3A : f32 to vector<8x8192xf32>
    %broadcast_in_dim3A_10 = arith.constant 0 : i32
    %broadcast_in_dim3A_11 = vector.broadcast %broadcast_in_dim3A_10 : i32 to vector<8x1xi32>
    %slice3A = vector.extract_strided_slice %get3A_1 {offsets = [0, 0], sizes = [8, 1], strides = [1, 1]} : vector<8x8192xf32> to vector<8x1xf32>
    %slice3A_12 = vector.extract_strided_slice %get3A_4 {offsets = [0, 0], sizes = [8, 1], strides = [1, 1]} : vector<8x8192xf32> to vector<8x1xf32>
    %slice3A_13 = vector.extract_strided_slice %get3A_7 {offsets = [0, 0], sizes = [8, 1], strides = [1, 1]} : vector<8x8192xf32> to vector<8x1xf32>
    %scan3A = arith.constant 0 : i32
    %scan3A_14 = arith.constant 512 : i32
    %scan3A_15 = arith.addi %scan3A, %scan3A_14 : i32
    %scan3A_16 = arith.constant 1 : i32
    %scan3A_17:5 = scf.for %scan3A_19 = %scan3A to %scan3A_15 step %scan3A_16 iter_args(%scan3A_20 = %broadcast_in_dim3A_9, %scan3A_21 = %broadcast_in_dim3A_11, %scan3A_22 = %slice3A, %scan3A_23 = %slice3A_12, %scan3A_24 = %slice3A_13) -> (vector<8x8192xf32>, vector<8x1xi32>, vector<8x1xf32>, vector<8x1xf32>, vector<8x1xf32>)  : i32 {
      %eq3A = vector.broadcast %scan3A_19 : i32 to vector<8x512xi32>
      %eq3A_25 = arith.cmpi eq, %iota3A_8, %eq3A : vector<8x512xi32>
      %get3A_26 = arith.constant 0 : index
      %get3A_27 = arith.constant 0 : index
      %get3A_28 = vector.load %arg3[%get3A_26, %get3A_27] : memref<8x512xi32, #tpu.memory_space<vmem>>, vector<8x512xi32>
      %broadcast_in_dim3A_29 = vector.shape_cast %scan3A_21 : vector<8x1xi32> to vector<8x1xi32>
      %broadcast_in_dim3A_30 = vector.broadcast %broadcast_in_dim3A_29 : vector<8x1xi32> to vector<8x512xi32>
      %select_n3A = arith.select %eq3A_25, %broadcast_in_dim3A_30, %get3A_28 : vector<8x512xi1>, vector<8x512xi32>
      %swap3A = arith.constant 0 : index
      %swap3A_31 = arith.constant 0 : index
      %swap3A_32 = vector.load %arg3[%swap3A, %swap3A_31] : memref<8x512xi32, #tpu.memory_space<vmem>>, vector<8x512xi32>
      tpu.vector_store %arg3[%swap3A, %swap3A_31], %select_n3A {strides = array<i32>} : memref<8x512xi32, #tpu.memory_space<vmem>>, vector<8x512xi32>,
      %get3A_33 = arith.constant 0 : index
      %get3A_34 = arith.constant 0 : index
      %get3A_35 = vector.load %arg4[%get3A_33, %get3A_34] : memref<8x512xf32, #tpu.memory_space<vmem>>, vector<8x512xf32>
      %broadcast_in_dim3A_36 = vector.shape_cast %scan3A_22 : vector<8x1xf32> to vector<8x1xf32>
      %broadcast_in_dim3A_37 = vector.broadcast %broadcast_in_dim3A_36 : vector<8x1xf32> to vector<8x512xf32>
      %select_n3A_38 = arith.select %eq3A_25, %broadcast_in_dim3A_37, %get3A_35 : vector<8x512xi1>, vector<8x512xf32>
      %swap3A_39 = arith.constant 0 : index
      %swap3A_40 = arith.constant 0 : index
      %swap3A_41 = vector.load %arg4[%swap3A_39, %swap3A_40] : memref<8x512xf32, #tpu.memory_space<vmem>>, vector<8x512xf32>
      tpu.vector_store %arg4[%swap3A_39, %swap3A_40], %select_n3A_38 {strides = array<i32>} : memref<8x512xf32, #tpu.memory_space<vmem>>, vector<8x512xf32>,
      %get3A_42 = arith.constant 0 : index
      %get3A_43 = arith.constant 0 : index
      %get3A_44 = vector.load %arg5[%get3A_42, %get3A_43] : memref<8x512xf32, #tpu.memory_space<vmem>>, vector<8x512xf32>
      %broadcast_in_dim3A_45 = vector.shape_cast %scan3A_23 : vector<8x1xf32> to vector<8x1xf32>
      %broadcast_in_dim3A_46 = vector.broadcast %broadcast_in_dim3A_45 : vector<8x1xf32> to vector<8x512xf32>
      %select_n3A_47 = arith.select %eq3A_25, %broadcast_in_dim3A_46, %get3A_44 : vector<8x512xi1>, vector<8x512xf32>
      %swap3A_48 = arith.constant 0 : index
      %swap3A_49 = arith.constant 0 : index
      %swap3A_50 = vector.load %arg5[%swap3A_48, %swap3A_49] : memref<8x512xf32, #tpu.memory_space<vmem>>, vector<8x512xf32>
      tpu.vector_store %arg5[%swap3A_48, %swap3A_49], %select_n3A_47 {strides = array<i32>} : memref<8x512xf32, #tpu.memory_space<vmem>>, vector<8x512xf32>,
      %get3A_51 = arith.constant 0 : index
      %get3A_52 = arith.constant 0 : index
      %get3A_53 = vector.load %arg6[%get3A_51, %get3A_52] : memref<8x512xf32, #tpu.memory_space<vmem>>, vector<8x512xf32>
      %broadcast_in_dim3A_54 = vector.shape_cast %scan3A_24 : vector<8x1xf32> to vector<8x1xf32>
      %broadcast_in_dim3A_55 = vector.broadcast %broadcast_in_dim3A_54 : vector<8x1xf32> to vector<8x512xf32>
      %select_n3A_56 = arith.select %eq3A_25, %broadcast_in_dim3A_55, %get3A_53 : vector<8x512xi1>, vector<8x512xf32>
      %swap3A_57 = arith.constant 0 : index
      %swap3A_58 = arith.constant 0 : index
      %swap3A_59 = vector.load %arg6[%swap3A_57, %swap3A_58] : memref<8x512xf32, #tpu.memory_space<vmem>>, vector<8x512xf32>
      tpu.vector_store %arg6[%swap3A_57, %swap3A_58], %select_n3A_56 {strides = array<i32>} : memref<8x512xf32, #tpu.memory_space<vmem>>, vector<8x512xf32>,
      %sub3A = vector.broadcast %scan3A_22 : vector<8x1xf32> to vector<8x8192xf32>
      %sub3A_60 = arith.subf %get3A_1, %sub3A : vector<8x8192xf32>
      %sub3A_61 = vector.broadcast %scan3A_23 : vector<8x1xf32> to vector<8x8192xf32>
      %sub3A_62 = arith.subf %get3A_4, %sub3A_61 : vector<8x8192xf32>
      %sub3A_63 = vector.broadcast %scan3A_24 : vector<8x1xf32> to vector<8x8192xf32>
      %sub3A_64 = arith.subf %get3A_7, %sub3A_63 : vector<8x8192xf32>
      %mul3A = arith.mulf %sub3A_60, %sub3A_60 : vector<8x8192xf32>
      %mul3A_65 = arith.mulf %sub3A_62, %sub3A_62 : vector<8x8192xf32>
      %add3A = arith.addf %mul3A, %mul3A_65 : vector<8x8192xf32>
      %mul3A_66 = arith.mulf %sub3A_64, %sub3A_64 : vector<8x8192xf32>
      %add3A_67 = arith.addf %add3A, %mul3A_66 : vector<8x8192xf32>
      %min3A = arith.minimumf %scan3A_20, %add3A_67 : vector<8x8192xf32>
      %reduce_max3A = arith.constant dense<0xFF800000> : vector<8xf32>
      %reduce_max3A_68 = vector.multi_reduction <maximumf>, %min3A, %reduce_max3A [1] : vector<8x8192xf32> to vector<8xf32>
      %broadcast_in_dim3A_69 = vector.shape_cast %reduce_max3A_68 : vector<8xf32> to vector<8x1xf32>
      %eq3A_70 = vector.broadcast %broadcast_in_dim3A_69 : vector<8x1xf32> to vector<8x8192xf32>
      %eq3A_71 = arith.cmpf oeq, %min3A, %eq3A_70 : vector<8x8192xf32>
      %jit3A = arith.constant 8192 : i32
      %broadcast_in_dim3A_72 = vector.broadcast %jit3A : i32 to vector<8x8192xi32>
      %select_n3A_73 = arith.select %eq3A_71, %iota3A, %broadcast_in_dim3A_72 : vector<8x8192xi1>, vector<8x8192xi32>
      %reduce_min3A = arith.constant dense<2147483647> : vector<8xi32>
      %reduce_min3A_74 = vector.multi_reduction <minsi>, %select_n3A_73, %reduce_min3A [1] : vector<8x8192xi32> to vector<8xi32>
      %broadcast_in_dim3A_75 = vector.shape_cast %reduce_min3A_74 : vector<8xi32> to vector<8x1xi32>
      %eq3A_76 = vector.broadcast %broadcast_in_dim3A_75 : vector<8x1xi32> to vector<8x8192xi32>
      %eq3A_77 = arith.cmpi eq, %select_n3A_73, %eq3A_76 : vector<8x8192xi32>
      %jit3A_78 = arith.constant 0.000000e+00 : f32
      %broadcast_in_dim3A_79 = vector.broadcast %jit3A_78 : f32 to vector<8x8192xf32>
      %select_n3A_80 = arith.select %eq3A_77, %get3A_1, %broadcast_in_dim3A_79 : vector<8x8192xi1>, vector<8x8192xf32>
      %reduce_sum3A = arith.constant dense<0.000000e+00> : vector<8xf32>
      %reduce_sum3A_81 = vector.multi_reduction <add>, %select_n3A_80, %reduce_sum3A [1] : vector<8x8192xf32> to vector<8xf32>
      %broadcast_in_dim3A_82 = vector.shape_cast %reduce_sum3A_81 : vector<8xf32> to vector<8x1xf32>
      %jit3A_83 = arith.constant 0.000000e+00 : f32
      %broadcast_in_dim3A_84 = vector.broadcast %jit3A_83 : f32 to vector<8x8192xf32>
      %select_n3A_85 = arith.select %eq3A_77, %get3A_4, %broadcast_in_dim3A_84 : vector<8x8192xi1>, vector<8x8192xf32>
      %reduce_sum3A_86 = arith.constant dense<0.000000e+00> : vector<8xf32>
      %reduce_sum3A_87 = vector.multi_reduction <add>, %select_n3A_85, %reduce_sum3A_86 [1] : vector<8x8192xf32> to vector<8xf32>
      %broadcast_in_dim3A_88 = vector.shape_cast %reduce_sum3A_87 : vector<8xf32> to vector<8x1xf32>
      %jit3A_89 = arith.constant 0.000000e+00 : f32
      %broadcast_in_dim3A_90 = vector.broadcast %jit3A_89 : f32 to vector<8x8192xf32>
      %select_n3A_91 = arith.select %eq3A_77, %get3A_7, %broadcast_in_dim3A_90 : vector<8x8192xi1>, vector<8x8192xf32>
      %reduce_sum3A_92 = arith.constant dense<0.000000e+00> : vector<8xf32>
      %reduce_sum3A_93 = vector.multi_reduction <add>, %select_n3A_91, %reduce_sum3A_92 [1] : vector<8x8192xf32> to vector<8xf32>
      %broadcast_in_dim3A_94 = vector.shape_cast %reduce_sum3A_93 : vector<8xf32> to vector<8x1xf32>
      scf.yield %min3A, %broadcast_in_dim3A_75, %broadcast_in_dim3A_82, %broadcast_in_dim3A_88, %broadcast_in_dim3A_94 : vector<8x8192xf32>, vector<8x1xi32>, vector<8x1xf32>, vector<8x1xf32>, vector<8x1xf32>
    }
    %scan3A_18 = arith.constant 512 : i32
    return
  }
}

module attributes {stable_mosaic.version = 14 : i64} {
  func.func @_knn_body(%arg0: i32, %arg1: memref<8x8192xf32, #tpu.memory_space<vmem>>, %arg2: memref<8x8192xf32, #tpu.memory_space<vmem>>, %arg3: memref<8x8192xf32, #tpu.memory_space<vmem>>, %arg4: memref<256x128xf32, #tpu.memory_space<vmem>>, %arg5: memref<256x128xf32, #tpu.memory_space<vmem>>, %arg6: memref<256x128xf32, #tpu.memory_space<vmem>>, %arg7: memref<256x128xi32, #tpu.memory_space<vmem>>) attributes {dimension_semantics = [#tpu.dimension_semantics<arbitrary>], iteration_bounds = array<i64: 16>, scalar_prefetch = 0 : i64, scratch_operands = 0 : i64, tpu.core_type = #tpu.core_type<tc>, window_params = [{pipeline_mode = #tpu.pipeline_mode<synchronous>, transform_indices = @transform_0, window_bounds = array<i64: 8, 8192>}, {pipeline_mode = #tpu.pipeline_mode<synchronous>, transform_indices = @transform_1, window_bounds = array<i64: 8, 8192>}, {pipeline_mode = #tpu.pipeline_mode<synchronous>, transform_indices = @transform_2, window_bounds = array<i64: 8, 8192>}, {transform_indices = @transform_3, window_bounds = array<i64: 256, 128>}, {transform_indices = @transform_4, window_bounds = array<i64: 256, 128>}, {transform_indices = @transform_5, window_bounds = array<i64: 256, 128>}, {transform_indices = @transform_6, window_bounds = array<i64: 256, 128>}]} {
    %jit3A = arith.constant 2 : i32
    %div3A = arith.divsi %arg0, %jit3A : i32
    %sign3A = arith.constant 0 : i32
    %sign3A_0 = arith.cmpi sgt, %arg0, %sign3A : i32
    %sign3A_1 = arith.extui %sign3A_0 : i1 to i32
    %sign3A_2 = arith.constant 0 : i32
    %sign3A_3 = arith.cmpi slt, %arg0, %sign3A_2 : i32
    %sign3A_4 = arith.extui %sign3A_3 : i1 to i32
    %sign3A_5 = arith.subi %sign3A_1, %sign3A_4 : i32
    %sign3A_6 = arith.constant 0 : i32
    %sign3A_7 = arith.cmpi sgt, %jit3A, %sign3A_6 : i32
    %sign3A_8 = arith.extui %sign3A_7 : i1 to i32
    %sign3A_9 = arith.constant 0 : i32
    %sign3A_10 = arith.cmpi slt, %jit3A, %sign3A_9 : i32
    %sign3A_11 = arith.extui %sign3A_10 : i1 to i32
    %sign3A_12 = arith.subi %sign3A_8, %sign3A_11 : i32
    %ne3A = arith.cmpi ne, %sign3A_5, %sign3A_12 : i32
    %rem3A = arith.remsi %arg0, %jit3A : i32
    %ne3A_13 = arith.constant 0 : i32
    %ne3A_14 = arith.cmpi ne, %rem3A, %ne3A_13 : i32
    %and3A = arith.andi %ne3A, %ne3A_14 : i1
    %sub3A = arith.constant 1 : i32
    %sub3A_15 = arith.subi %div3A, %sub3A : i32
    %select_n3A = arith.select %and3A, %sub3A_15, %div3A : i32
    %get3A = arith.index_cast %select_n3A : i32 to index
    %get3A_16 = arith.constant 0 : index
    %get3A_17 = vector.load %arg1[%get3A, %get3A_16] : memref<8x8192xf32, #tpu.memory_space<vmem>>, vector<1x8192xf32>
    %broadcast_in_dim3A = vector.shape_cast %get3A_17 : vector<1x8192xf32> to vector<1x8192xf32>
    %broadcast_in_dim3A_18 = vector.broadcast %broadcast_in_dim3A : vector<1x8192xf32> to vector<256x8192xf32>
    %get3A_19 = arith.index_cast %select_n3A : i32 to index
    %get3A_20 = arith.constant 0 : index
    %get3A_21 = vector.load %arg2[%get3A_19, %get3A_20] : memref<8x8192xf32, #tpu.memory_space<vmem>>, vector<1x8192xf32>
    %broadcast_in_dim3A_22 = vector.shape_cast %get3A_21 : vector<1x8192xf32> to vector<1x8192xf32>
    %broadcast_in_dim3A_23 = vector.broadcast %broadcast_in_dim3A_22 : vector<1x8192xf32> to vector<256x8192xf32>
    %get3A_24 = arith.index_cast %select_n3A : i32 to index
    %get3A_25 = arith.constant 0 : index
    %get3A_26 = vector.load %arg3[%get3A_24, %get3A_25] : memref<8x8192xf32, #tpu.memory_space<vmem>>, vector<1x8192xf32>
    %broadcast_in_dim3A_27 = vector.shape_cast %get3A_26 : vector<1x8192xf32> to vector<1x8192xf32>
    %broadcast_in_dim3A_28 = vector.broadcast %broadcast_in_dim3A_27 : vector<1x8192xf32> to vector<256x8192xf32>
    %get3A_29 = arith.constant 0 : index
    %get3A_30 = arith.constant 0 : index
    %get3A_31 = vector.load %arg4[%get3A_29, %get3A_30] : memref<256x128xf32, #tpu.memory_space<vmem>>, vector<256x1xf32>
    %get3A_32 = arith.constant 0 : index
    %get3A_33 = arith.constant 0 : index
    %get3A_34 = vector.load %arg5[%get3A_32, %get3A_33] : memref<256x128xf32, #tpu.memory_space<vmem>>, vector<256x1xf32>
    %get3A_35 = arith.constant 0 : index
    %get3A_36 = arith.constant 0 : index
    %get3A_37 = vector.load %arg6[%get3A_35, %get3A_36] : memref<256x128xf32, #tpu.memory_space<vmem>>, vector<256x1xf32>
    %sub3A_38 = vector.broadcast %get3A_31 : vector<256x1xf32> to vector<256x8192xf32>
    %sub3A_39 = arith.subf %sub3A_38, %broadcast_in_dim3A_18 : vector<256x8192xf32>
    %sub3A_40 = vector.broadcast %get3A_34 : vector<256x1xf32> to vector<256x8192xf32>
    %sub3A_41 = arith.subf %sub3A_40, %broadcast_in_dim3A_23 : vector<256x8192xf32>
    %sub3A_42 = vector.broadcast %get3A_37 : vector<256x1xf32> to vector<256x8192xf32>
    %sub3A_43 = arith.subf %sub3A_42, %broadcast_in_dim3A_28 : vector<256x8192xf32>
    %mul3A = arith.mulf %sub3A_39, %sub3A_39 : vector<256x8192xf32>
    %mul3A_44 = arith.mulf %sub3A_41, %sub3A_41 : vector<256x8192xf32>
    %add3A = arith.addf %mul3A, %mul3A_44 : vector<256x8192xf32>
    %mul3A_45 = arith.mulf %sub3A_43, %sub3A_43 : vector<256x8192xf32>
    %add3A_46 = arith.addf %add3A, %mul3A_45 : vector<256x8192xf32>
    %iota3A = tpu.iota {dimensions = array<i32: 1>} : vector<256x8192xi32>
    %iota3A_47 = tpu.iota {dimensions = array<i32: 1>} : vector<256x128xi32>
    %broadcast_in_dim3A_48 = arith.constant 0 : i32
    %broadcast_in_dim3A_49 = vector.broadcast %broadcast_in_dim3A_48 : i32 to vector<256x128xi32>
    %scan3A = arith.constant 0x7F800000 : f32
    %scan3A_50 = arith.constant 0 : i32
    %scan3A_51 = arith.constant 32 : i32
    %scan3A_52 = arith.addi %scan3A_50, %scan3A_51 : i32
    %scan3A_53 = arith.constant 1 : i32
    %scan3A_54:2 = scf.for %scan3A_58 = %scan3A_50 to %scan3A_52 step %scan3A_53 iter_args(%scan3A_59 = %add3A_46, %scan3A_60 = %broadcast_in_dim3A_49) -> (vector<256x8192xf32>, vector<256x128xi32>)  : i32 {
      %reduce_min3A = arith.constant dense<0x7F800000> : vector<256xf32>
      %reduce_min3A_61 = vector.multi_reduction <minimumf>, %scan3A_59, %reduce_min3A [1] : vector<256x8192xf32> to vector<256xf32>
      %broadcast_in_dim3A_62 = vector.shape_cast %reduce_min3A_61 : vector<256xf32> to vector<256x1xf32>
      %eq3A = vector.broadcast %broadcast_in_dim3A_62 : vector<256x1xf32> to vector<256x8192xf32>
      %eq3A_63 = arith.cmpf oeq, %scan3A_59, %eq3A : vector<256x8192xf32>
      %jit3A_64 = arith.constant 8192 : i32
      %broadcast_in_dim3A_65 = vector.broadcast %jit3A_64 : i32 to vector<256x8192xi32>
      %select_n3A_66 = arith.select %eq3A_63, %iota3A, %broadcast_in_dim3A_65 : vector<256x8192xi1>, vector<256x8192xi32>
      %reduce_min3A_67 = arith.constant dense<2147483647> : vector<256xi32>
      %reduce_min3A_68 = vector.multi_reduction <minsi>, %select_n3A_66, %reduce_min3A_67 [1] : vector<256x8192xi32> to vector<256xi32>
      %broadcast_in_dim3A_69 = vector.shape_cast %reduce_min3A_68 : vector<256xi32> to vector<256x1xi32>
      %eq3A_70 = vector.broadcast %scan3A_58 : i32 to vector<256x128xi32>
      %eq3A_71 = arith.cmpi eq, %iota3A_47, %eq3A_70 : vector<256x128xi32>
      %broadcast_in_dim3A_72 = vector.shape_cast %broadcast_in_dim3A_69 : vector<256x1xi32> to vector<256x1xi32>
      %broadcast_in_dim3A_73 = vector.broadcast %broadcast_in_dim3A_72 : vector<256x1xi32> to vector<256x128xi32>
      %select_n3A_74 = arith.select %eq3A_71, %broadcast_in_dim3A_73, %scan3A_60 : vector<256x128xi1>, vector<256x128xi32>
      %eq3A_75 = vector.broadcast %broadcast_in_dim3A_69 : vector<256x1xi32> to vector<256x8192xi32>
      %eq3A_76 = arith.cmpi eq, %iota3A, %eq3A_75 : vector<256x8192xi32>
      %broadcast_in_dim3A_77 = vector.broadcast %scan3A : f32 to vector<256x8192xf32>
      %select_n3A_78 = arith.select %eq3A_76, %broadcast_in_dim3A_77, %scan3A_59 : vector<256x8192xi1>, vector<256x8192xf32>
      scf.yield %select_n3A_78, %select_n3A_74 : vector<256x8192xf32>, vector<256x128xi32>
    }
    %scan3A_55 = arith.constant 32 : i32
    %swap3A = arith.constant 0 : index
    %swap3A_56 = arith.constant 0 : index
    %swap3A_57 = vector.load %arg7[%swap3A, %swap3A_56] : memref<256x128xi32, #tpu.memory_space<vmem>>, vector<256x128xi32>
    tpu.vector_store %arg7[%swap3A, %swap3A_56], %scan3A_54#1 {strides = array<i32>} : memref<256x128xi32, #tpu.memory_space<vmem>>, vector<256x128xi32>,
    return
  }
  func.func @transform_0(%arg0: i32) -> (i32, i32) {
    %c0_i32 = arith.constant 0 : i32
    %c0_i32_0 = arith.constant 0 : i32
    %c0_i32_1 = arith.constant 0 : i32
    return %c0_i32, %c0_i32_0 : i32, i32
  }
  func.func @transform_1(%arg0: i32) -> (i32, i32) {
    %c0_i32 = arith.constant 0 : i32
    %c0_i32_0 = arith.constant 0 : i32
    %c0_i32_1 = arith.constant 0 : i32
    return %c0_i32, %c0_i32_0 : i32, i32
  }
  func.func @transform_2(%arg0: i32) -> (i32, i32) {
    %c0_i32 = arith.constant 0 : i32
    %c0_i32_0 = arith.constant 0 : i32
    %c0_i32_1 = arith.constant 0 : i32
    return %c0_i32, %c0_i32_0 : i32, i32
  }
  func.func @transform_3(%arg0: i32) -> (i32, i32) {
    %c0_i32 = arith.constant 0 : i32
    %c0_i32_0 = arith.constant 0 : i32
    return %arg0, %c0_i32 : i32, i32
  }
  func.func @transform_4(%arg0: i32) -> (i32, i32) {
    %c0_i32 = arith.constant 0 : i32
    %c0_i32_0 = arith.constant 0 : i32
    return %arg0, %c0_i32 : i32, i32
  }
  func.func @transform_5(%arg0: i32) -> (i32, i32) {
    %c0_i32 = arith.constant 0 : i32
    %c0_i32_0 = arith.constant 0 : i32
    return %arg0, %c0_i32 : i32, i32
  }
  func.func @transform_6(%arg0: i32) -> (i32, i32) {
    %c0_i32 = arith.constant 0 : i32
    %c0_i32_0 = arith.constant 0 : i32
    return %arg0, %c0_i32 : i32, i32
  }
}

</mosaic_0001>

<sc_bundles>
// kernel: kernel.5.cloned.1.call-start
scs
__scs_entry_jumppad:
0x0: {  	(pc) =	sbr.rel $0x88, $3  }
0x1: {  	(tag) =	ssettag $0x0;
	lr =	simm.s32 $0x1  }
0x2: {  	[smem:$0x3FA0] =	sst lr;
	_ =	strace $0xD0000000  }
0x3: {  	_ = 	snop  }
0x4: {  	_ = 	snop  }
0x5: {  	_ = 	snop  }
0x6: {  	_ = 	snop  }
0x7: {  	_ = 	snop  }
__scs_overlays_trampoline_lowered:
0x8: {  	[smem:$0x3FAF] =	sst s0  }
0x9: {  	[smem:$0x3FB0] =	sst s1  }
0xa: {  	[smem:$0x3FB1] =	sst s2  }
0xb: {  	[smem:$0x3FB2] =	sst s3  }
0xc: {  	[smem:$0x3FB3] =	sst s4  }
0xd: {  	[smem:$0x3FB4] =	sst s5  }
0xe: {  	[smem:$0x3FB5] =	sst s6  }
0xf: {  	[smem:$0x3FB6] =	sst s7  }
0x10: {  	[smem:$0x3FB7] =	sst s8  }
0x11: {  	[smem:$0x3FB8] =	sst s9;
	s0 =	simm.s32 @!p0 $0x0  }
0x12: {  	s1 =	sld [smem:$0x3F9E];
	s0 =	simm.s32 @p0 $0x1  }
0x13: {  	[smem:$0x3FB9] =	sst s0;
	s0 =	simm.s32 @!p1 $0x0  }
0x14: {  	s2 =	sld [smem:$0x3F9D];
	s0 =	simm.s32 @p1 $0x1  }
0x15: {  	[smem:$0x3FBA] =	sst s0;
	s0 =	simm.s32 @!p2 $0x0  }
0x16: {  	s3 =	sld [smem:$0x3FDB];
	s0 =	simm.s32 @p2 $0x1  }
0x17: {  	s4 =	simm.s32 $0x1BF5;
	[smem:$0x3FBC] =	sst s0  }
0x18: {  	s0 =	sld [smem:$0x3F9F];
	_ =	swait.ge [sflag:s4], $0x0  }
0x19: {  	s7 =	sld [smem:$0x3FA0]  }
0x1a: {  	s8 =	sadd.s32 $0xFFFFE003, lr  }
0x1b: {  	s9 =	sadd.s32 $0xFFFFFEF7, lr;
	s5 =	simm.s32 $0xFFFFFFFF;
	p2 =	slt.u32 s8, $0xFFFFF086  }
0x1c: {  	p1 =	slt.u32 s9, $0xF7A;
	s5 =	simm.s32 @!p2 $0x0  }
0x1d: {  	s5 =	simm.s32 @p1 $0x1;
	p0 =	seq.s32 s7, s2  }
0x1e: {  	s7 =	smul.u32 @!p0 $0xF7A, s2;
	p2 =	seq.s32 @!p0 s5, $0x0  }
0x1f: {  	s9 =	smul.u32 $0xF7A, s1;
	s8 =	simm.s32 @!p0 $0x1BF5;
	p2 =	por !p2, p0  }
0x20: {  	[sflag:s8] =	ssyncset.s32 @!p0 $0xFFFFF086;
	s6 =	sadd.s32 @!p0 s3, s7;
	s7 =	simm.s32 @!p0 $0x108  }
0x21: {  	s3 =	sadd.s32 s3, s9;
	s6 =	sadd.s32 @!p0 $0x88, s6;
	s7 =	simm.s32 @p2 $0x1082  }
0x22: {  	[simem:s7], [sflag:s8] =	dma.local @!p0 [hbm:s6], $0xF7A  }
0x23: {  	s9 =	sor.u32 $0xD0000000, s2;
	s6 =	simm.s32 $0x108;
	_ =	swait.ge @!p0 [sflag:s8], $0x0  }
0x24: {  	s3 =	sadd.s32 $0x88, s3;
	s6 =	simm.s32 @!p1 $0x1082;
	[sflag:s4] =	ssyncset.s32 $0xFFFFF086  }
0x25: {  	[simem:s6], [sflag:s4] =	dma.local [hbm:s3], $0xF7A  }
0x26: {  	[smem:$0x3FA0] =	sst s1;
	(tag) =	ssettag s2;
	_ =	strace s9  }
0x27: {  	s1 =	sld [smem:$0x3FB0]  }
0x28: {  	s2 =	sld [smem:$0x3FB1]  }
0x29: {  	s4 =	sld [smem:$0x3FB3]  }
0x2a: {  	p0 =	seq.s32 s5, $0x0;
	s5 =	sld [smem:$0x3FB4]  }
0x2b: {  	s6 =	sld [smem:$0x3FB5]  }
0x2c: {  	s7 =	sld [smem:$0x3FB6]  }
0x2d: {  	s3 =	simm.s32 $0x108;
	s8 =	sld [smem:$0x3FB7]  }
0x2e: {  	s3 =	simm.s32 @!p0 $0x1082;
	s9 =	sld [smem:$0x3FB8]  }
0x2f: {  	lr =	sadd.s32 s0, s3;
	s0 =	sld [smem:$0x3FAF]  }
0x30: {  	s3 =	sld [smem:$0x3FB2]  }
0x31: {  	[smem:$0x3FBB] =	sst s10  }
0x32: {  	s10 =	sld [smem:$0x3FB9];
	_ =	sdelay $0x3  }
0x33: {  	p0 =	seq.s32 s10, $0x1;
	s10 =	sld [smem:$0x3FBB];
	_ =	sdelay $0x3  }
0x34: {  	[smem:$0x3FBB] =	sst s10  }
0x35: {  	s10 =	sld [smem:$0x3FBA];
	_ =	sdelay $0x3  }
0x36: {  	p1 =	seq.s32 s10, $0x1;
	s10 =	sld [smem:$0x3FBB];
	_ =	sdelay $0x3  }
0x37: {  	[smem:$0x3FBB] =	sst s10  }
0x38: {  	s10 =	sld [smem:$0x3FBC]  }
0x39: {  	_ = 	snop;
	(pc) =	sbr.ind lr, $3  }
0x3a: {  	_ = 	snop  }
0x3b: {  	_ = 	snop  }
0x3c: {  	p2 =	seq.s32 s10, $0x1;
	s10 =	sld [smem:$0x3FBB]  }
0x3d: {  	_ =	shalt  }
0x3e: {  	_ =	shalt  }
0x3f: {  	_ =	shalt  }
0x40: {  	_ =	shalt  }
0x41: {  	_ =	shalt  }
0x42: {  	_ =	shalt  }
0x43: {  	_ =	shalt  }
0x44: {  	_ =	shalt  }
0x45: {  	_ =	shalt  }
0x46: {  	_ =	shalt  }
0x47: {  	_ =	shalt  }
0x48: {  	_ =	shalt  }
0x49: {  	_ =	shalt  }
0x4a: {  	_ =	shalt  }
0x4b: {  	_ =	shalt  }
0x4c: {  	_ =	shalt  }
0x4d: {  	_ =	shalt  }
0x4e: {  	_ =	shalt  }
0x4f: {  	_ =	shalt  }
0x50: {  	_ =	shalt  }
0x51: {  	_ =	shalt  }
0x52: {  	_ =	shalt  }
0x53: {  	_ =	shalt  }
0x54: {  	_ =	shalt  }
0x55: {  	_ =	shalt  }
0x56: {  	_ =	shalt  }
0x57: {  	_ =	shalt  }
0x58: {  	_ =	shalt  }
0x59: {  	_ =	shalt  }
0x5a: {  	_ =	shalt  }
0x5b: {  	_ =	shalt  }
0x5c: {  	_ =	shalt  }
0x5d: {  	_ =	shalt  }
0x5e: {  	_ =	shalt  }
0x5f: {  	_ =	shalt  }
0x60: {  	_ =	shalt  }
0x61: {  	_ =	shalt  }
0x62: {  	_ =	shalt  }
0x63: {  	_ =	shalt  }
0x64: {  	_ =	shalt  }
0x65: {  	_ =	shalt  }
0x66: {  	_ =	shalt  }
0x67: {  	_ =	shalt  }
0x68: {  	_ =	shalt  }
0x69: {  	_ =	shalt  }
0x6a: {  	_ =	shalt  }
0x6b: {  	_ =	shalt  }
0x6c: {  	_ =	shalt  }
0x6d: {  	_ =	shalt  }
0x6e: {  	_ =	shalt  }
0x6f: {  	_ =	shalt  }
0x70: {  	_ =	shalt  }
0x71: {  	_ =	shalt  }
0x72: {  	_ =	shalt  }
0x73: {  	_ =	shalt  }
0x74: {  	_ =	shalt  }
0x75: {  	_ =	shalt  }
0x76: {  	_ =	shalt  }
0x77: {  	_ =	shalt  }
0x78: {  	_ =	shalt  }
0x79: {  	_ =	shalt  }
0x7a: {  	_ =	shalt  }
0x7b: {  	_ =	shalt  }
0x7c: {  	_ =	shalt  }
0x7d: {  	_ =	shalt  }
0x7e: {  	_ =	shalt  }
0x7f: {  	_ =	shalt  }
0x80: {  	_ =	shalt  }
0x81: {  	_ =	shalt  }
0x82: {  	_ =	shalt  }
0x83: {  	_ =	shalt  }
0x84: {  	_ =	shalt  }
0x85: {  	_ =	shalt  }
0x86: {  	_ =	shalt  }
0x87: {  	_ =	shalt  }
.Lfunc_end0:
.L_simem_size_0:
called_computation_lowered:
.L_overlay_start_0:
0x88: {  	s2 =	sld [smem:$0x3FD9]  }
0x89: {  	s3 =	sld [smem:$0x3FFE];
	_ =	sdelay $0x1  }
0x8a: {  	s1 =	srdreg.scid  }
0x8b: {  	s0 =	sand.u32 $0x1, s1  }
0x8c: {  	s14 =	sshll.u32 s0, $0xA;
	s2 =	sadd.s32 s3, s2  }
0x8d: {  	s2 =	sadd.s32 s2, s14  }
0x8e: {  	[smem:$0x3FC7] =	sst s2  }
0x8f: {  	_ = 	snop  }
0x90: {  	s2 =	sld [smem:$0x3FD0];
	_ =	sdelay $0x2  }
0x91: {  	s15 =	simm.s32 $0xA;
	s4 =	simm.s32 $0x10  }
0x92: {  	[smem:s4], [sflag:s15] =	dma.local [hbm:s2], $0x1  }
0x93: {  	_ =	swait.eq [sflag:s15], $0x1  }
0x94: {  	s16 =	sld [smem:$0x10]  }
0x95: {  	s17 =	sld [smem:$0x11];
	[sflag:s15] =	ssyncset.done $0x0  }
0x96: {  	s5 =	sld [smem:$0x12];
	[sflag:s15] =	ssyncadd.s32 $0xFFFFFFFF  }
0x97: {  	s18 =	sld [smem:$0x13];
	(tm) =	ssettm $0x1  }
0x98: {  	s6 =	sld [smem:$0x3FFB];
	_ =	sdelay $0x3  }
0x99: {  	_ =	strace s6  }
0x9a: {  	s6 =	sld [smem:$0x3FFC];
	_ =	sdelay $0x3  }
0x9b: {  	_ =	strace s6  }
0x9c: {  	s6 =	sld [smem:$0x3FFD];
	_ =	sdelay $0x3  }
0x9d: {  	_ =	strace s6  }
0x9e: {  	_ =	strace $0x8FFFFFFF  }
0x9f: {  	s19 =	sld [smem:$0x3FDB];
	_ =	sdelay $0x1  }
0xa0: {  	s7 =	simm.s32 $_scs_section_size  }
0xa1: {  	s8 =	simm.s32 $_size__tile_overlayer_lowered;
	s9 =	simm.s32 $_tile_overlayer_lowered  }
0xa2: {  	s22 =	simm.s32 $0x1BFF;
	s21 =	sshll.u32 s9, $0x1;
	s6 =	sadd.s32 s7, s19  }
0xa3: {  	s10 =	simm.s32 $0x0;
	s20 =	sshll.u32 s8, $0x1;
	s8 =	sadd.s32 s21, s6  }
0xa4: {  	[timem:s10], [sflag:s22] =	dma.local [hbm:s8], s20  }
0xa5: {  	_ =	swait.ge [sflag:s22], s20  }
0xa6: {  	s7 =	ssub.s32 $0x0, s20;
	[sflag:s22] =	ssyncset.done $0x0  }
0xa7: {  	[sflag:s22] =	ssyncadd.s32 s7;
	_ =	sdelay $0x1  }
0xa8: {  	s23 =	simm.s32 $0x1B8B  }
0xa9: {  	_ =	swait.ge [sflag:s23], $0x1  }
0xaa: {  	[sflag:s23] =	ssyncset.done $0x0  }
0xab: {  	s25 =	simm.s32 $0x1B8E;
	s24 =	sld [smem:$0x3FFE];
	[sflag:s23] =	ssyncadd.s32 $0xFFFFFFFF  }
0xac: {  	s26 =	simm.s32 $execute0_lowered;
	[smem:$0x3FD2] =	sst s25  }
0xad: {  	s8 =	sshll.u32 s26, $0x1;
	_ =	strace $0x80000046;
	[dreg:$0x1] =	wrdreg $0xFFFFFFFF  }
0xae: {  	s28 =	simm.s32 $_size_execute0_lowered;
	s6 =	sadd.s32 s6, s8;
	[dreg:$0x0] =	wrdreg $0x0  }
0xaf: {  	s8 =	sshll.u32 s28, $0x1;
	[dreg:$0x2] =	wrdreg s6  }
0xb0: {  	[dreg:$0x3] =	wrdreg s8  }
0xb1: {  	[dreg:$0x4] =	wrdreg $0xC0  }
0xb2: {  	_ =	task [dreg:s10], $0x5FFFF  }
0xb3: {  	[dreg:$0x1] =	wrdreg $0xFFFFFFFF  }
0xb4: {  	[dreg:$0x0] =	wrdreg $0x60  }
0xb5: {  	[dreg:$0x2] =	wrdreg s24  }
0xb6: {  	[dreg:$0x3] =	wrdreg s18  }
0xb7: {  	[dreg:$0x4] =	wrdreg s5  }
0xb8: {  	[dreg:$0x5] =	wrdreg s17  }
0xb9: {  	[dreg:$0x6] =	wrdreg s16  }
0xba: {  	[dreg:$0x7] =	wrdreg $0x9  }
0xbb: {  	_ =	task.clear_ibuf [dreg:s10], $0x8FFFF;
	_ =	strace $0x90000046  }
0xbc: {  	s29 =	simm.s32 $0x9;
	_ =	strace $0x80000048  }
0xbd: {  	_ =	swait.ge [sflag:s29], $0x1  }
0xbe: {  	[sflag:s29] =	ssyncadd.s32 $0xFFFFFFFF  }
0xbf: {  	_ =	strace $0x90000048  }
0xc0: {  	_ =	sfence  }
0xc1: {  	s30 =	sld [smem:$0x0];
	_ =	sdelay $0x2  }
0xc2: {  	s31 =	sshll.u32 s1, $0xD;
	s1 =	sshrl.u32 s1, $0x2  }
0xc3: {  	s3 =	sand.u32 $0x4000, s31;
	s1 =	sadd.s32 s1, s30  }
0xc4: {  	s0 =	sor.u32 s3, s0;
	s1 =	sshll.u32 s1, $0x11  }
0xc5: {  	s0 =	sor.u32 s1, s0  }
0xc6: {  	s0 =	sadd.s32 $0x8F2B, s0  }
0xc7: {  	[sflag:s0] =	ssyncadd.remote.s32 $0x1  }
0xc8: {  	_ =	sfence.sel $0xFFFF  }
0xc9: {  	[dreg:$0x0] =	wrdreg $0xFFFFFFFF;
	(pc) =	sbr.abs _section_cstart, $3  }
0xca: {  	[dreg:$0x1] =	wrdreg $0xFFFFFFFF  }
0xcb: {  	_ =	task.clear_ibuf [dreg:s10], $0x2FFFF;
	_ =	strace $0x9FFFFFFF  }
0xcc: {  	(tm) =	ssettm $0x7FFFFFFF  }
0xcd: {  	_ =	shalt  }
tec
execute0_lowered:
.L_overlay_start_1:
0x0: {  	(tag) =	ssettag $0x1  }
0x1: {  	s0 =	rddreg [dreg:$0x0]  }
0x2: {  	s1 =	rddreg [dreg:$0x1]  }
0x3: {  	s3 =	rddreg [dreg:$0x2]  }
0x4: {  	s4 =	rddreg [dreg:$0x3]  }
0x5: {  	s5 =	rddreg [dreg:$0x4];
	s2 =	simm.s32 $0x0;
	s8 =	stileid.u32  }
0x6: {  	s6 =	srdreg.scid;
	s28 =	simm.s32 $0x2000;
	s29 =	simm.s32 $0x4000  }
0x7: {  	s30 =	simm.s32 $0x6000;
	s7 =	sshll.u32 s8, $0x1;
	s8 =	sshll.u32 s8, $0x6  }
0x8: {  	s31 =	simm.s32 $0x8000;
	[smem:$0x7FF] =	sst s2;
	s8 =	sand.u32 $0x380, s8  }
0x9: {  	s6 =	sand.u32 $0x1, s6;
	s7 =	sand.u32 $0x2, s7;
	s9 =	sshrl.u32 s8, $0x3  }
0xa: {  	_ =	strace $0x80000047;
	s7 =	sor.u32 s6, s7;
	s9 =	sadd.s32 s9, s0  }
0xb: {  	s6 =	ssub.s32 $0x2, s6;
	s10 =	sshll.u32 s7, $0xF;
	s18 =	sadd.s32 $0x9400, s9  }
0xc: {  	s7 =	sshll.u32 s7, $0xA;
	s19 =	sadd.s32 $0xD400, s9;
	[dreg:$0x6] =	wrdreg s18  }
0xd: {  	s11 =	sshrl.u32 s6, $0x1;
	s20 =	sadd.s32 $0xB400, s9;
	[dreg:$0x7] =	wrdreg s19  }
0xe: {  	s10 =	sor.u32 s8, s10;
	s21 =	sadd.s32 $0x7400, s9;
	[dreg:$0x8] =	wrdreg s20  }
0xf: {  	s7 =	sor.u32 s8, s7;
	s22 =	sadd.s32 $0x5400, s9;
	[dreg:$0x9] =	wrdreg s21  }
0x10: {  	s6 =	ssub.s32 s6, s11;
	s9 =	sadd.s32 $0x3400, s9;
	[dreg:$0xa] =	wrdreg s22  }
0x11: {  	s17 =	sshrl.u32 s10, $0x3;
	s7 =	sshrl.u32 s7, $0x3;
	[dreg:$0xb] =	wrdreg s9  }
0x12: {  	s10 =	sadd.s32 s17, s0;
	s0 =	sadd.s32 s7, s0;
	s1 =	sadd.s32 s1, s7  }
0x13: {  	s23 =	sadd.s32 s3, s7;
	s26 =	sadd.s32 s4, s17;
	s14 =	sadd.s32 s5, s17  }
0x14: {  	s3 =	simm.s32 $0xC080;
	s4 =	simm.s32 $0xC100;
	[dreg:$0xc] =	wrdreg s1  }
0x15: {  	s5 =	simm.s32 $0x0;
	[dreg:$0xd] =	wrdreg s23;
	s24 =	sadd.s32 $0xF400, s0  }
0x16: {  	s25 =	sadd.s32 $0xF600, s0;
	[dreg:$0x10] =	wrdreg s26;
	s15 =	sadd.s32 $0xF800, s10  }
0x17: {  	s16 =	sadd.s32 $0x13800, s10;
	s17 =	sadd.s32 $0x17800, s10;
	s18 =	sadd.s32 $0x1B800, s10  }
0x18: {  	s19 =	sadd.s32 $0x1F800, s10;
	s20 =	sadd.s32 $0x23800, s0;
	s21 =	sadd.s32 $0x23A00, s0  }
0x19: {  	s22 =	sadd.s32 $0x23C00, s0;
	s23 =	smax.u32 s6, $0x1;
	s26 =	simm.s32 $0x1  }
0x1a: {  	s0 =	simm.s32 $0xA000;
	s1 =	simm.s32 $0xC000;
	[dreg:$0xe] =	wrdreg s24  }
0x1b: {  	[dreg:$0xf] =	wrdreg s25;
	s24 =	simm.s32 $0x80;
	s25 =	simm.s32 $0x400  }
.LBB2_1:
0x1c: {  	s6 =	rddreg [dreg:$0x6]  }
0x1d: {  	[tilespmem:s2], [sflag:$0x1] =	stream.strided.gather [hbm4b:s6+s24], $0x2000, s25, s24, $0x38;
	[tilespmem:$0x13380] =	vst v63  }
0x1e: {  	_ =	swait.ge [sflag:s26], $0x2000  }
0x1f: {  	[sflag:s26] =	ssyncset.done $0x0  }
0x20: {  	s10 =	rddreg [dreg:$0x7];
	[sflag:s26] =	ssyncadd.s32 $0xFFFFE000  }
0x21: {  	[tilespmem:s28], [sflag:$0x1] =	stream.strided.gather [hbm4b:s10+s24], $0x2000, s25, s24, $0x38;
	[tilespmem:$0x13380] =	vst v63  }
0x22: {  	_ =	swait.ge [sflag:s26], $0x2000  }
0x23: {  	[sflag:s26] =	ssyncset.done $0x0  }
0x24: {  	s11 =	rddreg [dreg:$0x8];
	[sflag:s26] =	ssyncadd.s32 $0xFFFFE000  }
0x25: {  	[tilespmem:s29], [sflag:$0x1] =	stream.strided.gather [hbm4b:s11+s24], $0x2000, s25, s24, $0x38;
	[tilespmem:$0x13380] =	vst v63  }
0x26: {  	_ =	swait.ge [sflag:s26], $0x2000  }
0x27: {  	[sflag:s26] =	ssyncset.done $0x0  }
0x28: {  	s12 =	rddreg [dreg:$0x9];
	[sflag:s26] =	ssyncadd.s32 $0xFFFFE000  }
0x29: {  	[tilespmem:s30], [sflag:$0x1] =	stream.strided.gather [hbm4b:s12+s24], $0x2000, s25, s24, $0x38;
	[tilespmem:$0x13380] =	vst v63  }
0x2a: {  	_ =	swait.ge [sflag:s26], $0x2000  }
0x2b: {  	[sflag:s26] =	ssyncset.done $0x0  }
0x2c: {  	s13 =	rddreg [dreg:$0xa];
	[sflag:s26] =	ssyncadd.s32 $0xFFFFE000  }
0x2d: {  	[tilespmem:s31], [sflag:$0x1] =	stream.strided.gather [hbm4b:s13+s24], $0x2000, s25, s24, $0x38;
	[tilespmem:$0x13380] =	vst v63  }
0x2e: {  	_ =	swait.ge [sflag:s26], $0x2000  }
0x2f: {  	[sflag:s26] =	ssyncset.done $0x0  }
0x30: {  	s7 =	rddreg [dreg:$0xb];
	[sflag:s26] =	ssyncadd.s32 $0xFFFFE000  }
0x31: {  	[tilespmem:s0], [sflag:$0x1] =	stream.strided.gather [hbm4b:s7+s24], $0x2000, s25, s24, $0x38;
	[tilespmem:$0x13380] =	vst v63  }
0x32: {  	_ =	swait.ge [sflag:s26], $0x2000  }
0x33: {  	[sflag:s26] =	ssyncset.done $0x0  }
0x34: {  	s8 =	rddreg [dreg:$0xc];
	[sflag:s26] =	ssyncadd.s32 $0xFFFFE000  }
0x35: {  	[tilespmem:s1], [sflag:$0x1] =	stream.linear.gather [hbm4b:s8+s2], $0x80, $0x38;
	[tilespmem:$0x13380] =	vst v63  }
0x36: {  	_ =	swait.ge [sflag:s26], $0x80  }
0x37: {  	[sflag:s26] =	ssyncset.done $0x0  }
0x38: {  	s9 =	rddreg [dreg:$0xd];
	[sflag:s26] =	ssyncadd.s32 $0xFFFFFF80  }
0x39: {  	[tilespmem:s3], [sflag:$0x1] =	stream.linear.gather [hbm4b:s9+s2], $0x80, $0x38;
	[tilespmem:$0x13380] =	vst v63  }
0x3a: {  	_ =	swait.ge [sflag:s26], $0x80  }
0x3b: {  	[sflag:s26] =	ssyncset.done $0x0  }
0x3c: {  	s10 =	rddreg [dreg:$0xe];
	[sflag:s26] =	ssyncadd.s32 $0xFFFFFF80  }
0x3d: {  	[tilespmem:s4], [sflag:$0x1] =	stream.linear.gather [hbm4b:s10+s2], $0x80, $0x38;
	[tilespmem:$0x13380] =	vst v63  }
0x3e: {  	_ =	swait.ge [sflag:s26], $0x80  }
0x3f: {  	[sflag:s26] =	ssyncset.done $0x0  }
0x40: {  	s7 =	simm.s32 $0xC180;
	s11 =	rddreg [dreg:$0xf];
	[sflag:s26] =	ssyncadd.s32 $0xFFFFFF80  }
0x41: {  	[tilespmem:s7], [sflag:$0x1] =	stream.linear.gather [hbm4b:s11+s2], $0x80, $0x38;
	[tilespmem:$0x13380] =	vst v63  }
0x42: {  	_ =	swait.ge [sflag:s26], $0x80  }
0x43: {  	s6 =	simm.s32 $0x12210;
	s13 =	simm.s32 $0xC200;
	[sflag:s26] =	ssyncset.done $0x0  }
0x44: {  	s8 =	simm.s32 $0x10210;
	s12 =	rddreg [dreg:$0x10];
	[sflag:s26] =	ssyncadd.s32 $0xFFFFFF80  }
0x45: {  	[tilespmem:s13], [sflag:$0x1] =	stream.strided.gather [hbm4b:s12+s24], $0x1000, s25, s24, $0x38;
	[tilespmem:$0x13380] =	vst v63  }
0x46: {  	s9 =	simm.s32 $0xF210;
	s10 =	simm.s32 $0xE210;
	_ =	swait.ge [sflag:s26], $0x1000  }
0x47: {  	s7 =	simm.s32 $0x11210;
	s11 =	simm.s32 $0xD210;
	[sflag:s26] =	ssyncset.done $0x0  }
0x48: {  	s12 =	simm.s32 $0xC210;
	s13 =	simm.s32 $0x0;
	[sflag:s26] =	ssyncadd.s32 $0xFFFFF000  }
.LBB2_2:
0x49: {  	v0 =	vmov s13;
	v1 =	vld [tilespmem:s12+$0xFFFFFFF0];
	_ =	sdelay $0x4  }
0x4a: {  	v2 =	vld.idx.msk [tilespmem:v0+s1+$0x0], $0xffff  }
0x4b: {  	v3 =	vld.idx.msk [tilespmem:v0+s3+$0x0], $0xffff  }
0x4c: {  	v0 =	vld.idx.msk [tilespmem:v0+s4+$0x0], $0xffff  }
0x4d: {  	v4 =	vld.idx.msk [tilespmem:v1+s2+$0x0], $0xffff  }
0x4e: {  	v5 =	vld.idx.msk [tilespmem:v1+s28+$0x0], $0xffff  }
0x4f: {  	v6 =	vld.idx.msk [tilespmem:v1+s29+$0x0], $0xffff;
	_ =	sdelay $0x2  }
0x50: {  	v4 =	vsub.f32 v4, v2  }
0x51: {  	v5 =	vsub.f32 v5, v3  }
0x52: {  	v62 =	vsub.f32 v6, v0;
	[tilespmem:s11+$0xFFFFFFF0] =	vst v4  }
0x53: {  	[tilespmem:s10+$0xFFFFFFF0] =	vst v5  }
0x54: {  	[tilespmem:s9+$0xFFFFFFF0] =	vst v62  }
0x55: {  	v4 =	vld.idx.msk [tilespmem:v1+s30+$0x0], $0xffff;
	_ =	sdelay $0x4  }
0x56: {  	[tilespmem:s8+$0xFFFFFFF0] =	vst v4  }
0x57: {  	v4 =	vld.idx.msk [tilespmem:v1+s31+$0x0], $0xffff;
	_ =	sdelay $0x4  }
0x58: {  	[tilespmem:s7+$0xFFFFFFF0] =	vst v4  }
0x59: {  	v1 =	vld.idx.msk [tilespmem:v1+s0+$0x0], $0xffff;
	_ =	sdelay $0x4  }
0x5a: {  	[tilespmem:s6+$0xFFFFFFF0] =	vst v1  }
0x5b: {  	v1 =	vld [tilespmem:s12+$0x0];
	_ =	sdelay $0x7  }
0x5c: {  	v4 =	vld.idx.msk [tilespmem:v1+s2+$0x0], $0xffff  }
0x5d: {  	v5 =	vld.idx.msk [tilespmem:v1+s28+$0x0], $0xffff  }
0x5e: {  	v63 =	vld.idx.msk [tilespmem:v1+s29+$0x0], $0xffff;
	_ =	sdelay $0x2  }
0x5f: {  	v2 =	vsub.f32 v4, v2  }
0x60: {  	v3 =	vsub.f32 v5, v3  }
0x61: {  	v0 =	vsub.f32 v63, v0;
	[tilespmem:s11+$0x0] =	vst v2  }
0x62: {  	[tilespmem:s10+$0x0] =	vst v3  }
0x63: {  	[tilespmem:s9+$0x0] =	vst v0  }
0x64: {  	v0 =	vld.idx.msk [tilespmem:v1+s30+$0x0], $0xffff;
	_ =	sdelay $0x4  }
0x65: {  	[tilespmem:s8+$0x0] =	vst v0  }
0x66: {  	v0 =	vld.idx.msk [tilespmem:v1+s31+$0x0], $0xffff;
	_ =	sdelay $0x4  }
0x67: {  	[tilespmem:s7+$0x0] =	vst v0  }
0x68: {  	p0 =	sne.s32 s13, $0x7F;
	v0 =	vld.idx.msk [tilespmem:v1+s0+$0x0], $0xffff  }
.Ltmp0:
0x69: {  	_ = 	snop;
	(pc) =	sbr.rel @p0 .LBB2_2-.Ltmp0, $4  }
0x6a: {  	_ = 	snop  }
0x6b: {  	s13 =	sadd.s32 $0x1, s13;
	s12 =	sadd.s32 $0x20, s12  }
0x6c: {  	s11 =	sadd.s32 $0x20, s11;
	s10 =	sadd.s32 $0x20, s10;
	s9 =	sadd.s32 $0x20, s9  }
0x6d: {  	s8 =	sadd.s32 $0x20, s8;
	s7 =	sadd.s32 $0x20, s7;
	[tilespmem:s6+$0x0] =	vst v0;
	s6 =	sadd.s32 $0x20, s6  }
0x6e: {  	v0 =	vld [tilespmem:$0xC180];
	_ =	sdelay $0x7  }
0x6f: {  	v1 =	vld.idx.msk [tilespmem:v0+s30+$0x0], $0xffff;
	_ =	sdelay $0x4  }
0x70: {  	[tilespmem:$0x13200] =	vst v1  }
0x71: {  	v1 =	vld.idx.msk [tilespmem:v0+s31+$0x0], $0xffff;
	_ =	sdelay $0x3  }
0x72: {  	v2 =	vld [tilespmem:$0xC190]  }
0x73: {  	[tilespmem:$0x13280] =	vst v1  }
0x74: {  	v0 =	vld.idx.msk [tilespmem:v0+s0+$0x0], $0xffff;
	_ =	sdelay $0x4  }
0x75: {  	[tilespmem:$0x13300] =	vst v0  }
0x76: {  	v0 =	vld.idx.msk [tilespmem:v2+s30+$0x0], $0xffff;
	_ =	sdelay $0x4  }
0x77: {  	[tilespmem:$0x13210] =	vst v0  }
0x78: {  	v0 =	vld.idx.msk [tilespmem:v2+s31+$0x0], $0xffff;
	_ =	sdelay $0x3  }
0x79: {  	v58 =	vld [tilespmem:$0xC1A0]  }
0x7a: {  	[tilespmem:$0x13290] =	vst v0  }
0x7b: {  	v0 =	vld.idx.msk [tilespmem:v2+s0+$0x0], $0xffff;
	_ =	sdelay $0x4  }
0x7c: {  	[tilespmem:$0x13310] =	vst v0  }
0x7d: {  	v0 =	vld.idx.msk [tilespmem:v58+s30+$0x0], $0xffff;
	_ =	sdelay $0x4  }
0x7e: {  	[tilespmem:$0x13220] =	vst v0  }
0x7f: {  	v0 =	vld.idx.msk [tilespmem:v58+s31+$0x0], $0xffff;
	_ =	sdelay $0x3  }
0x80: {  	v59 =	vld [tilespmem:$0xC1B0]  }
0x81: {  	[tilespmem:$0x132A0] =	vst v0  }
0x82: {  	v0 =	vld.idx.msk [tilespmem:v58+s0+$0x0], $0xffff;
	_ =	sdelay $0x4  }
0x83: {  	[tilespmem:$0x13320] =	vst v0  }
0x84: {  	v0 =	vld.idx.msk [tilespmem:v59+s30+$0x0], $0xffff;
	_ =	sdelay $0x4  }
0x85: {  	[tilespmem:$0x13230] =	vst v0  }
0x86: {  	v0 =	vld.idx.msk [tilespmem:v59+s31+$0x0], $0xffff;
	_ =	sdelay $0x3  }
0x87: {  	v60 =	vld [tilespmem:$0xC1C0]  }
0x88: {  	[tilespmem:$0x132B0] =	vst v0  }
0x89: {  	v0 =	vld.idx.msk [tilespmem:v59+s0+$0x0], $0xffff;
	_ =	sdelay $0x4  }
0x8a: {  	[tilespmem:$0x13330] =	vst v0  }
0x8b: {  	v0 =	vld.idx.msk [tilespmem:v60+s30+$0x0], $0xffff;
	_ =	sdelay $0x4  }
0x8c: {  	[tilespmem:$0x13240] =	vst v0  }
0x8d: {  	v0 =	vld.idx.msk [tilespmem:v60+s31+$0x0], $0xffff;
	_ =	sdelay $0x3  }
0x8e: {  	v61 =	vld [tilespmem:$0xC1D0]  }
0x8f: {  	[tilespmem:$0x132C0] =	vst v0  }
0x90: {  	v0 =	vld.idx.msk [tilespmem:v60+s0+$0x0], $0xffff;
	_ =	sdelay $0x4  }
0x91: {  	[tilespmem:$0x13340] =	vst v0  }
0x92: {  	v0 =	vld.idx.msk [tilespmem:v61+s30+$0x0], $0xffff;
	_ =	sdelay $0x4  }
0x93: {  	[tilespmem:$0x13250] =	vst v0  }
0x94: {  	v0 =	vld.idx.msk [tilespmem:v61+s31+$0x0], $0xffff;
	_ =	sdelay $0x3  }
0x95: {  	v62 =	vld [tilespmem:$0xC1E0]  }
0x96: {  	[tilespmem:$0x132D0] =	vst v0  }
0x97: {  	v0 =	vld.idx.msk [tilespmem:v61+s0+$0x0], $0xffff;
	_ =	sdelay $0x4  }
0x98: {  	[tilespmem:$0x13350] =	vst v0  }
0x99: {  	v0 =	vld.idx.msk [tilespmem:v62+s30+$0x0], $0xffff;
	_ =	sdelay $0x4  }
0x9a: {  	[tilespmem:$0x13260] =	vst v0  }
0x9b: {  	v0 =	vld.idx.msk [tilespmem:v62+s31+$0x0], $0xffff;
	_ =	sdelay $0x3  }
0x9c: {  	v63 =	vld [tilespmem:$0xC1F0]  }
0x9d: {  	[tilespmem:$0x132E0] =	vst v0  }
0x9e: {  	v0 =	vld.idx.msk [tilespmem:v62+s0+$0x0], $0xffff;
	_ =	sdelay $0x4  }
0x9f: {  	[tilespmem:$0x13360] =	vst v0  }
0xa0: {  	v0 =	vld.idx.msk [tilespmem:v63+s30+$0x0], $0xffff;
	_ =	sdelay $0x4  }
0xa1: {  	[tilespmem:$0x13270] =	vst v0  }
0xa2: {  	v0 =	vld.idx.msk [tilespmem:v63+s31+$0x0], $0xffff;
	_ =	sdelay $0x4  }
0xa3: {  	[tilespmem:$0x132F0] =	vst v0  }
0xa4: {  	v0 =	vld.idx.msk [tilespmem:v63+s0+$0x0], $0xffff;
	_ =	sdelay $0x4  }
0xa5: {  	s6 =	simm.s32 $0xD200;
	[tilespmem:$0x13370] =	vst v0  }
0xa6: {  	[hbm4b:s14+s24] =	stream.strided.scatter [tilespmem:s6], [sflag:$0x1], $0x1000, s25, s24, $0x38;
	[tilespmem:$0x13380] =	vst v63  }
0xa7: {  	_ =	swait.ge [sflag:s26], $0x1000  }
0xa8: {  	[sflag:s26] =	ssyncset.done $0x0  }
0xa9: {  	s13 =	simm.s32 $0xE200;
	[sflag:s26] =	ssyncadd.s32 $0xFFFFF000  }
0xaa: {  	[hbm4b:s15+s24] =	stream.strided.scatter [tilespmem:s13], [sflag:$0x1], $0x1000, s25, s24, $0x38;
	[tilespmem:$0x13380] =	vst v63  }
0xab: {  	_ =	swait.ge [sflag:s26], $0x1000  }
0xac: {  	[sflag:s26] =	ssyncset.done $0x0  }
0xad: {  	s7 =	simm.s32 $0xF200;
	[sflag:s26] =	ssyncadd.s32 $0xFFFFF000  }
0xae: {  	[hbm4b:s16+s24] =	stream.strided.scatter [tilespmem:s7], [sflag:$0x1], $0x1000, s25, s24, $0x38;
	[tilespmem:$0x13380] =	vst v63  }
0xaf: {  	_ =	swait.ge [sflag:s26], $0x1000  }
0xb0: {  	[sflag:s26] =	ssyncset.done $0x0  }
0xb1: {  	s8 =	simm.s32 $0x10200;
	[sflag:s26] =	ssyncadd.s32 $0xFFFFF000  }
0xb2: {  	[hbm4b:s17+s24] =	stream.strided.scatter [tilespmem:s8], [sflag:$0x1], $0x1000, s25, s24, $0x38;
	[tilespmem:$0x13380] =	vst v63  }
0xb3: {  	_ =	swait.ge [sflag:s26], $0x1000  }
0xb4: {  	[sflag:s26] =	ssyncset.done $0x0  }
0xb5: {  	s9 =	simm.s32 $0x11200;
	[sflag:s26] =	ssyncadd.s32 $0xFFFFF000  }
0xb6: {  	[hbm4b:s18+s24] =	stream.strided.scatter [tilespmem:s9], [sflag:$0x1], $0x1000, s25, s24, $0x38;
	[tilespmem:$0x13380] =	vst v63  }
0xb7: {  	_ =	swait.ge [sflag:s26], $0x1000  }
0xb8: {  	[sflag:s26] =	ssyncset.done $0x0  }
0xb9: {  	s10 =	simm.s32 $0x12200;
	[sflag:s26] =	ssyncadd.s32 $0xFFFFF000  }
0xba: {  	[hbm4b:s19+s24] =	stream.strided.scatter [tilespmem:s10], [sflag:$0x1], $0x1000, s25, s24, $0x38;
	[tilespmem:$0x13380] =	vst v63  }
0xbb: {  	_ =	swait.ge [sflag:s26], $0x1000  }
0xbc: {  	[sflag:s26] =	ssyncset.done $0x0  }
0xbd: {  	s11 =	simm.s32 $0x13200;
	[sflag:s26] =	ssyncadd.s32 $0xFFFFF000  }
0xbe: {  	[hbm4b:s20+s2] =	stream.linear.scatter [tilespmem:s11], [sflag:$0x1], $0x80, $0x38;
	[tilespmem:$0x13380] =	vst v63  }
0xbf: {  	_ =	swait.ge [sflag:s26], $0x80  }
0xc0: {  	[sflag:s26] =	ssyncset.done $0x0  }
0xc1: {  	s12 =	simm.s32 $0x13280;
	[sflag:s26] =	ssyncadd.s32 $0xFFFFFF80  }
0xc2: {  	[hbm4b:s21+s2] =	stream.linear.scatter [tilespmem:s12], [sflag:$0x1], $0x80, $0x38;
	[tilespmem:$0x13380] =	vst v63  }
0xc3: {  	s5 =	sadd.s32 $0x1, s5;
	_ =	swait.ge [sflag:s26], $0x80  }
0xc4: {  	p0 =	sne.s32 s5, s23;
	[sflag:s26] =	ssyncset.done $0x0  }
.Ltmp1:
0xc5: {  	s13 =	simm.s32 $0x13300;
	[sflag:s26] =	ssyncadd.s32 $0xFFFFFF80;
	(pc) =	sbr.rel @p0 .LBB2_1-.Ltmp1, $4  }
0xc6: {  	[hbm4b:s22+s2] =	stream.linear.scatter [tilespmem:s13], [sflag:$0x1], $0x80, $0x38;
	[tilespmem:$0x13380] =	vst v63  }
0xc7: {  	_ =	swait.ge [sflag:s26], $0x80  }
0xc8: {  	[sflag:s26] =	ssyncset.done $0x0  }
0xc9: {  	[sflag:s26] =	ssyncadd.s32 $0xFFFFFF80  }
0xca: {  	_ =	sfence.sel $0x180000  }
0xcb: {  	[bflag:$0x0] =	sbarrier.arrive $0xFFFF  }
0xcc: {  	_ =	strace $0x90000047  }
0xcd: {  	s0 =	stileid.u32;
	[bflag:$0x2] =	sbarrier.arrive $0xFFFF  }
0xce: {  	p0 =	sne.s32 s0, $0x0;
	s0 =	rddreg [dreg:$0x5]  }
0xcf: {  	s0 =	sadd.s32 @!p0 $0x100000, s0  }
0xd0: {  	[sflag:s0] =	ssyncadd.tile.s32 @!p0 $0x1;
	_ =	shalt  }
.Lfunc_end2:
_tile_overlayer_lowered:
.L_overlay_start_2:
0xd1: {  	(tag) =	ssettag $0x2  }
0xd2: {  	s0 =	rddreg [dreg:$0x0];
	s2 =	stileid.u32  }
0xd3: {  	s1 =	rddreg [dreg:$0x1];
	p0 =	sne.s32 s2, $0x0  }
0xd4: {  	s3 =	rddreg [dreg:$0x2];
	[bflag:$0x3] =	sbarrier.arrive $0xFFFF;
	s2 =	simm.s32 @!p0 $0x1C01  }
0xd5: {  	[timem:s3], [sflag:s2] =	dma.local @!p0 [hbm:s0], s1  }
0xd6: {  	s0 =	simm.s32 @!p0 $0x1  }
0xd7: {  	_ =	swait.ge @!p0 [sflag:s0], s1  }
0xd8: {  	s1 =	ssub.s32 @!p0 $0x0, s1;
	[sflag:s0] =	ssyncset.done @!p0 $0x0  }
0xd9: {  	[sflag:s0] =	ssyncadd.s32 @!p0 s1  }
0xda: {  	[bflag:$0x3] =	sbarrier.arrive $0xFFFF  }
0xdb: {  	_ =	shalt  }

</sc_bundles>
